<compile_context>
chip_gen: v7x
topology: tpu7x:2x2x1
jax: 0.10.2.dev20260603
libtpu: 0.0.44.dev20260713+nightly
codegen_flags: <defaults>
</compile_context>

<pallas_src>
import functools

import jax
import jax.numpy as jnp
from jax import lax
from jax.experimental import pallas as pl
from jax.experimental.pallas import tpu as pltpu
from jax.experimental.pallas import tpu_sc as plsc

NN = 10000
EE = 320000
FH = 16
NC = 2
NS = 16
NW = NC * NS
EPT = EE // NW
CH = 80
NCHK = EPT // CH
NIO = 10
RPS = NN // NIO
NBUF = 2


def _sc_agg(with_cnt):
    mesh = plsc.VectorSubcoreMesh(core_axis_name="c", subcore_axis_name="s")
    out_type = [jax.ShapeDtypeStruct((NC, NN, FH), jnp.float32)]
    scratch = [
        pltpu.VMEM((NCHK, CH), jnp.int32),
        pltpu.VMEM((NCHK, CH), jnp.int32),
    ] + [pltpu.VMEM((CH, FH), jnp.float32) for _ in range(NBUF)] + [
        pltpu.VMEM((RPS, FH), jnp.float32),
        pltpu.VMEM_SHARED((NN, FH), jnp.float32),
    ] + [pltpu.SemaphoreType.DMA for _ in range(NBUF)]
    if with_cnt:
        out_type.append(jax.ShapeDtypeStruct((NC, NN, FH), jnp.float32))
        scratch.append(pltpu.VMEM((CH, FH), jnp.float32))
        scratch.append(pltpu.VMEM_SHARED((NN, FH), jnp.float32))

    def body(p_hbm, src_hbm, dst_hbm, acc_out, *rest):
        if with_cnt:
            cnt_out = rest[0]
            rest = rest[1:]
        src_v, dst_v = rest[0], rest[1]
        bufs = rest[2:2 + NBUF]
        zbuf, acc_sh = rest[2 + NBUF], rest[3 + NBUF]
        sems = rest[4 + NBUF:4 + 2 * NBUF]
        rows0, rows1 = bufs
        sem0, sem1 = sems
        if with_cnt:
            ones, cnt_sh = rest[4 + 2 * NBUF], rest[5 + 2 * NBUF]
        c = lax.axis_index("c")
        s = lax.axis_index("s")
        wid = c * NS + s

        pltpu.sync_copy(src_hbm.at[wid], src_v)
        pltpu.sync_copy(dst_hbm.at[wid], dst_v)

        def zrow(i, carry):
            zbuf[i, :] = jnp.zeros((FH,), jnp.float32)
            return carry
        lax.fori_loop(0, RPS, zrow, 0)

        @pl.when(s < NIO)
        def _init():
            pltpu.sync_copy(zbuf, acc_sh.at[pl.ds(s * RPS, RPS)])
            if with_cnt:
                pltpu.sync_copy(zbuf, cnt_sh.at[pl.ds(s * RPS, RPS)])
        if with_cnt:
            def orow(i, carry):
                ones[i, :] = jnp.ones((FH,), jnp.float32)
                return carry
            lax.fori_loop(0, CH, orow, 0)
        plsc.subcore_barrier()

        def drain(rows, sem):
            pltpu.make_async_copy(p_hbm.at[pl.ds(0, CH)], rows, sem).wait()

        def scat(rows, i):
            pltpu.sync_copy(rows, acc_sh.at[dst_v.at[i]], add=True)
            if with_cnt:
                pltpu.sync_copy(ones, cnt_sh.at[dst_v.at[i]], add=True)

        pltpu.async_copy(p_hbm.at[src_v.at[0]], rows0, sem0)

        def step(j, carry):
            i0 = 2 * j
            pltpu.async_copy(p_hbm.at[src_v.at[i0 + 1]], rows1, sem1)
            drain(rows0, sem0)
            scat(rows0, i0)
            pltpu.async_copy(p_hbm.at[src_v.at[i0 + 2]], rows0, sem0)
            drain(rows1, sem1)
            scat(rows1, i0 + 1)
            return carry
        lax.fori_loop(0, NCHK // 2, step, 0)

        drain(rows0, sem0)
        scat(rows0, NCHK - 1)

        plsc.subcore_barrier()

        @pl.when(s < NIO)
        def _writeout():
            row0 = s * RPS
            pltpu.sync_copy(acc_sh.at[pl.ds(row0, RPS)],
                            acc_out.at[c, pl.ds(row0, RPS)])
            if with_cnt:
                pltpu.sync_copy(cnt_sh.at[pl.ds(row0, RPS)],
                                cnt_out.at[c, pl.ds(row0, RPS)])

    return pl.kernel(body, out_type=out_type, mesh=mesh,
                     scratch_types=scratch,
                     compiler_params=pltpu.CompilerParams(
                         use_tc_tiling_on_sc=False))


def _tc_proj1(x_ref, wl_ref, wr_ref, p_ref, r_ref):
    x = x_ref[...]
    p_ref[...] = jnp.dot(x, wl_ref[...], preferred_element_type=jnp.float32)
    r_ref[...] = jnp.dot(x, wr_ref[...], preferred_element_type=jnp.float32)


def _tc_combine1(acc_ref, cnt_ref, r1_ref, b1_ref, wl_ref, wr_ref,
                 p2_ref, r2_ref, inv_ref):
    cnt = cnt_ref[0] + cnt_ref[1]
    inv = 1.0 / jnp.maximum(cnt, 1.0)
    mean = (acc_ref[0] + acc_ref[1]) * inv
    h1 = jax.nn.sigmoid(mean + b1_ref[...] + r1_ref[...])
    p2_ref[...] = jnp.dot(h1, wl_ref[...], preferred_element_type=jnp.float32)
    r2_ref[...] = jnp.dot(h1, wr_ref[...], preferred_element_type=jnp.float32)
    inv_ref[...] = inv


def _tc_combine2(acc_ref, inv_ref, r2_ref, b2_ref, wlin1_ref, blin1_ref,
                 wlin2_ref, blin2_ref, out_ref):
    mean = (acc_ref[0] + acc_ref[1]) * inv_ref[...]
    h2 = jax.nn.sigmoid(mean + b2_ref[...] + r2_ref[...])
    h3 = jax.nn.sigmoid(
        jnp.dot(h2, wlin1_ref[...], preferred_element_type=jnp.float32)
        + blin1_ref[...])
    out_ref[...] = (
        jnp.dot(h3, wlin2_ref[...], preferred_element_type=jnp.float32)
        + blin2_ref[...])


@jax.jit
def kernel(x, edge_list, W1l, b1, W1r, W2l, b2, W2r, Wlin1, blin1, Wlin2, blin2):
    f32 = jnp.float32
    src = edge_list[0].astype(jnp.int32).reshape(NW, NCHK, CH)
    dst = edge_list[1].astype(jnp.int32).reshape(NW, NCHK, CH)

    sds = jax.ShapeDtypeStruct
    p1, r1 = pl.pallas_call(
        _tc_proj1,
        out_shape=[sds((NN, FH), f32), sds((NN, FH), f32)],
    )(x, W1l.T, W1r.T)

    accp1, cntp1 = _sc_agg(True)(p1, src, dst)

    p2, r2, inv = pl.pallas_call(
        _tc_combine1,
        out_shape=[sds((NN, FH), f32), sds((NN, FH), f32), sds((NN, FH), f32)],
    )(accp1, cntp1, r1, b1.reshape(1, FH), W2l.T, W2r.T)

    (accp2,) = _sc_agg(False)(p2, src, dst)

    out = pl.pallas_call(
        _tc_combine2,
        out_shape=sds((NN, FH), f32),
    )(accp2, inv, r2, b2.reshape(1, FH), Wlin1.T, blin1.reshape(1, FH),
      Wlin2.T, blin2.reshape(1, FH))
    return out

# --- scband reference (transcript-rebuilt; emitter-appended) ---
"""Pipeline reference for scband-gnn-11991548690765 (READ-ONLY COPY).

The authoritative reference and input builder live on the scoring server;
editing this copy changes nothing except your own understanding.
"""

import jax, jax.numpy as jnp
import numpy as np

N = 10000
E = 320000
F_IN = 128
H = 16
C = 16


def setup_inputs(seed: int = 0) -> dict:
    key = jax.random.key(seed)
    ks = jax.random.split(key, 12)
    x = jax.random.normal(ks[0], (N, F_IN), dtype=jnp.float32)
    edge_list = jax.random.randint(ks[1], (2, E), 0, N, dtype=jnp.int64)
    def lin(k, fan_out, fan_in):
        s = 1.0 / np.sqrt(fan_in)
        return jax.random.uniform(k, (fan_out, fan_in), jnp.float32, -s, s)
    W1l = lin(ks[2], H, F_IN)
    b1 = jnp.zeros((H,), jnp.float32)
    W1r = lin(ks[3], H, F_IN)
    W2l = lin(ks[4], H, H)
    b2 = jnp.zeros((H,), jnp.float32)
    W2r = lin(ks[5], H, H)
    Wlin1 = lin(ks[6], H, H)
    blin1 = jax.random.uniform(ks[7], (H,), jnp.float32, -0.25, 0.25)
    Wlin2 = lin(ks[8], C, H)
    blin2 = jax.random.uniform(ks[9], (C,), jnp.float32, -0.25, 0.25)
    return {"x": x, "edge_list": edge_list, "W1l": W1l, "b1": b1, "W1r": W1r,
            "W2l": W2l, "b2": b2, "W2r": W2r, "Wlin1": Wlin1, "blin1": blin1,
            "Wlin2": Wlin2, "blin2": blin2}


def reference(x, edge_list, W1l, b1, W1r, W2l, b2, W2r, Wlin1, blin1, Wlin2, blin2):
    # SAGEConv(aggr='mean'): out = lin_l(mean_{j in N(i)} x_j) + lin_r(x_i)
    # lin_l has bias, lin_r has no bias (PyG convention).
    src = edge_list[0]
    dst = edge_list[1]
    n = x.shape[0]

    def sage(h, Wl, bl, Wr):
        msgs = h[src]  # gather over edges
        agg = jax.ops.segment_sum(msgs, dst, num_segments=n)  # scatter-add
        cnt = jax.ops.segment_sum(jnp.ones((src.shape[0],), h.dtype), dst, num_segments=n)
        mean = agg / jnp.maximum(cnt, 1.0)[:, None]
        return mean @ Wl.T + bl + h @ Wr.T

    # dropout is identity in eval mode (training=False)
    h = jax.nn.sigmoid(sage(x, W1l, b1, W1r))
    h = jax.nn.sigmoid(sage(h, W2l, b2, W2r))
    h = jax.nn.sigmoid(h @ Wlin1.T + blin1)
    out = h @ Wlin2.T + blin2
    return out

if __name__ == "__main__":
    import jax
    _d = setup_inputs()
    print(jax.jit(kernel)(*tuple(_d.values())))

</pallas_src>

<mosaic_0001>
#map = affine_map<(d0, d1) -> (0, 0)>
#map1 = affine_map<(d0, d1) -> (0, 0, 0)>
module attributes {stable_mosaic.version = 14 : i64} {
  func.func @body(%arg0: i32, %arg1: i32, %arg2: memref<10000x16xf32, #tpu.memory_space<hbm>>, %arg3: memref<32x125x80xi32, #tpu.memory_space<hbm>>, %arg4: memref<32x125x80xi32, #tpu.memory_space<hbm>>, %arg5: memref<2x10000x16xf32, #tpu.memory_space<hbm>>, %arg6: memref<125x80xi32, #tpu.memory_space<vmem>>, %arg7: memref<125x80xi32, #tpu.memory_space<vmem>>, %arg8: memref<80x16xf32, #tpu.memory_space<vmem>>, %arg9: memref<80x16xf32, #tpu.memory_space<vmem>>, %arg10: memref<1000x16xf32, #tpu.memory_space<vmem>>, %arg11: memref<10000x16xf32, #tpu.memory_space<vmem_shared>>, %arg12: memref<!tpu.dma_semaphore, #tpu.memory_space<semaphore_mem>>, %arg13: memref<!tpu.dma_semaphore, #tpu.memory_space<semaphore_mem>>) attributes {dimension_semantics = [#tpu.dimension_semantics<core_parallel>, #tpu.dimension_semantics<subcore_parallel>], iteration_bounds = array<i64: 2, 16>, scalar_prefetch = 0 : i64, scratch_operands = 8 : i64, tpu.core_type = #tpu.core_type<sc_vector_subcore>, window_params = [{transform_indices = #map}, {transform_indices = #map1}, {transform_indices = #map1}, {transform_indices = #map1}]} {
    %mul3A = arith.constant 16 : i32
    %mul3A_0 = arith.muli %arg0, %mul3A : i32
    %add3A = arith.addi %mul3A_0, %arg1 : i32
    "tpu.region"() ({
      %run_scoped3A_31 = tpu.sem_alloc : memref<!tpu.dma_semaphore, #tpu.memory_space<semaphore_mem>>
      %dma_start3A_32 = arith.constant 0 : i32
      %dma_start3A_33 = arith.constant 0 : i32
      %dma_start3A_34 = tpu.memref_slice %arg3[%add3A, %dma_start3A_32, %dma_start3A_33] : memref<32x125x80xi32, #tpu.memory_space<hbm>> -> memref<1x125x80xi32, #tpu.memory_space<hbm>>
      %dma_start3A_35 = tpu.memref_squeeze %dma_start3A_34 : memref<1x125x80xi32, #tpu.memory_space<hbm>> -> memref<125x80xi32, #tpu.memory_space<hbm>>
      %dma_start3A_36 = arith.constant 0 : i32
      %dma_start3A_37 = arith.constant 0 : i32
      %dma_start3A_38 = tpu.memref_slice %arg3[%add3A, %dma_start3A_36, %dma_start3A_37] : memref<32x125x80xi32, #tpu.memory_space<hbm>> -> memref<1x125x80xi32, #tpu.memory_space<hbm>>
      %dma_start3A_39 = tpu.memref_squeeze %dma_start3A_38 : memref<1x125x80xi32, #tpu.memory_space<hbm>> -> memref<125x80xi32, #tpu.memory_space<hbm>>
      tpu.enqueue_dma source(%dma_start3A_39 : memref<125x80xi32, #tpu.memory_space<hbm>>) target(%arg6 : memref<125x80xi32, #tpu.memory_space<vmem>>) target_semaphore(%run_scoped3A_31 : memref<!tpu.dma_semaphore, #tpu.memory_space<semaphore_mem>>)
      %dma_wait3A_40 = arith.constant 0 : i32
      %dma_wait3A_41 = arith.constant 0 : i32
      %dma_wait3A_42 = tpu.memref_slice %arg3[%add3A, %dma_wait3A_40, %dma_wait3A_41] : memref<32x125x80xi32, #tpu.memory_space<hbm>> -> memref<1x125x80xi32, #tpu.memory_space<hbm>>
      %dma_wait3A_43 = tpu.memref_squeeze %dma_wait3A_42 : memref<1x125x80xi32, #tpu.memory_space<hbm>> -> memref<125x80xi32, #tpu.memory_space<hbm>>
      %dma_wait3A_44 = arith.constant 0 : i32
      %dma_wait3A_45 = arith.constant 0 : i32
      %dma_wait3A_46 = tpu.memref_slice %arg3[%add3A, %dma_wait3A_44, %dma_wait3A_45] : memref<32x125x80xi32, #tpu.memory_space<hbm>> -> memref<1x125x80xi32, #tpu.memory_space<hbm>>
      %dma_wait3A_47 = tpu.memref_squeeze %dma_wait3A_46 : memref<1x125x80xi32, #tpu.memory_space<hbm>> -> memref<125x80xi32, #tpu.memory_space<hbm>>
      tpu.wait_dma2 semaphore(%run_scoped3A_31 : memref<!tpu.dma_semaphore, #tpu.memory_space<semaphore_mem>>) src(%dma_wait3A_47 : memref<125x80xi32, #tpu.memory_space<hbm>>) dst(%arg6 : memref<125x80xi32, #tpu.memory_space<vmem>>)
      tpu.yield
    }) : () -> ()
    "tpu.region"() ({
      %run_scoped3A_31 = tpu.sem_alloc : memref<!tpu.dma_semaphore, #tpu.memory_space<semaphore_mem>>
      %dma_start3A_32 = arith.constant 0 : i32
      %dma_start3A_33 = arith.constant 0 : i32
      %dma_start3A_34 = tpu.memref_slice %arg4[%add3A, %dma_start3A_32, %dma_start3A_33] : memref<32x125x80xi32, #tpu.memory_space<hbm>> -> memref<1x125x80xi32, #tpu.memory_space<hbm>>
      %dma_start3A_35 = tpu.memref_squeeze %dma_start3A_34 : memref<1x125x80xi32, #tpu.memory_space<hbm>> -> memref<125x80xi32, #tpu.memory_space<hbm>>
      %dma_start3A_36 = arith.constant 0 : i32
      %dma_start3A_37 = arith.constant 0 : i32
      %dma_start3A_38 = tpu.memref_slice %arg4[%add3A, %dma_start3A_36, %dma_start3A_37] : memref<32x125x80xi32, #tpu.memory_space<hbm>> -> memref<1x125x80xi32, #tpu.memory_space<hbm>>
      %dma_start3A_39 = tpu.memref_squeeze %dma_start3A_38 : memref<1x125x80xi32, #tpu.memory_space<hbm>> -> memref<125x80xi32, #tpu.memory_space<hbm>>
      tpu.enqueue_dma source(%dma_start3A_39 : memref<125x80xi32, #tpu.memory_space<hbm>>) target(%arg7 : memref<125x80xi32, #tpu.memory_space<vmem>>) target_semaphore(%run_scoped3A_31 : memref<!tpu.dma_semaphore, #tpu.memory_space<semaphore_mem>>)
      %dma_wait3A_40 = arith.constant 0 : i32
      %dma_wait3A_41 = arith.constant 0 : i32
      %dma_wait3A_42 = tpu.memref_slice %arg4[%add3A, %dma_wait3A_40, %dma_wait3A_41] : memref<32x125x80xi32, #tpu.memory_space<hbm>> -> memref<1x125x80xi32, #tpu.memory_space<hbm>>
      %dma_wait3A_43 = tpu.memref_squeeze %dma_wait3A_42 : memref<1x125x80xi32, #tpu.memory_space<hbm>> -> memref<125x80xi32, #tpu.memory_space<hbm>>
      %dma_wait3A_44 = arith.constant 0 : i32
      %dma_wait3A_45 = arith.constant 0 : i32
      %dma_wait3A_46 = tpu.memref_slice %arg4[%add3A, %dma_wait3A_44, %dma_wait3A_45] : memref<32x125x80xi32, #tpu.memory_space<hbm>> -> memref<1x125x80xi32, #tpu.memory_space<hbm>>
      %dma_wait3A_47 = tpu.memref_squeeze %dma_wait3A_46 : memref<1x125x80xi32, #tpu.memory_space<hbm>> -> memref<125x80xi32, #tpu.memory_space<hbm>>
      tpu.wait_dma2 semaphore(%run_scoped3A_31 : memref<!tpu.dma_semaphore, #tpu.memory_space<semaphore_mem>>) src(%dma_wait3A_47 : memref<125x80xi32, #tpu.memory_space<hbm>>) dst(%arg7 : memref<125x80xi32, #tpu.memory_space<vmem>>)
      tpu.yield
    }) : () -> ()
    %scan3A = arith.constant 0 : i32
    %scan3A_1 = arith.constant 0 : i32
    %scan3A_2 = arith.constant 1000 : i32
    %scan3A_3 = arith.addi %scan3A_1, %scan3A_2 : i32
    %scan3A_4 = arith.constant 1 : i32
    scf.for %scan3A_31 = %scan3A_1 to %scan3A_3 step %scan3A_4  : i32 {
      %broadcast_in_dim3A = arith.constant 0.000000e+00 : f32
      %broadcast_in_dim3A_32 = vector.broadcast %broadcast_in_dim3A : f32 to vector<16xf32>
      %swap3A = arith.index_cast %scan3A_31 : i32 to index
      %swap3A_33 = arith.constant 0 : index
      %swap3A_34 = tpu.vector_load %arg10[%swap3A, %swap3A_33] {strides = array<i32>} : memref<1000x16xf32, #tpu.memory_space<vmem>>, vector<1x16xf32>,
      %swap3A_35 = vector.shape_cast %swap3A_34 : vector<1x16xf32> to vector<16xf32>
      %swap3A_36 = vector.shape_cast %broadcast_in_dim3A_32 : vector<16xf32> to vector<1x16xf32>
      tpu.vector_store %arg10[%swap3A, %swap3A_33], %swap3A_36 {strides = array<i32>} : memref<1000x16xf32, #tpu.memory_space<vmem>>, vector<1x16xf32>,
    }
    %scan3A_5 = arith.constant 1000 : i32
    %lt3A = arith.constant 10 : i32
    %lt3A_6 = arith.cmpi slt, %arg1, %lt3A : i32
    %convert_element_type3A = arith.extui %lt3A_6 : i1 to i32
    %cond3A = arith.constant 0 : i32
    %cond3A_7 = arith.cmpi ne, %convert_element_type3A, %cond3A : i32
    scf.if %cond3A_7 {
      %mul3A_31 = arith.constant 1000 : i32
      %mul3A_32 = arith.muli %arg1, %mul3A_31 : i32
      "tpu.region"() ({
        %run_scoped3A_33 = tpu.sem_alloc : memref<!tpu.dma_semaphore, #tpu.memory_space<semaphore_mem>>
        %dma_start3A_34 = arith.constant 0 : i32
        %dma_start3A_35 = tpu.memref_slice %arg11[%mul3A_32, %dma_start3A_34] : memref<10000x16xf32, #tpu.memory_space<vmem_shared>> -> memref<1000x16xf32, #tpu.memory_space<vmem_shared>>
        %dma_start3A_36 = arith.constant 0 : i32
        %dma_start3A_37 = tpu.memref_slice %arg11[%mul3A_32, %dma_start3A_36] : memref<10000x16xf32, #tpu.memory_space<vmem_shared>> -> memref<1000x16xf32, #tpu.memory_space<vmem_shared>>
        tpu.enqueue_dma source(%arg10 : memref<1000x16xf32, #tpu.memory_space<vmem>>) target(%dma_start3A_37 : memref<1000x16xf32, #tpu.memory_space<vmem_shared>>) target_semaphore(%run_scoped3A_33 : memref<!tpu.dma_semaphore, #tpu.memory_space<semaphore_mem>>)
        %dma_wait3A_38 = arith.constant 0 : i32
        %dma_wait3A_39 = tpu.memref_slice %arg11[%mul3A_32, %dma_wait3A_38] : memref<10000x16xf32, #tpu.memory_space<vmem_shared>> -> memref<1000x16xf32, #tpu.memory_space<vmem_shared>>
        %dma_wait3A_40 = arith.constant 0 : i32
        %dma_wait3A_41 = tpu.memref_slice %arg11[%mul3A_32, %dma_wait3A_40] : memref<10000x16xf32, #tpu.memory_space<vmem_shared>> -> memref<1000x16xf32, #tpu.memory_space<vmem_shared>>
        tpu.wait_dma2 semaphore(%run_scoped3A_33 : memref<!tpu.dma_semaphore, #tpu.memory_space<semaphore_mem>>) src(%arg10 : memref<1000x16xf32, #tpu.memory_space<vmem>>) dst(%dma_wait3A_41 : memref<1000x16xf32, #tpu.memory_space<vmem_shared>>)
        tpu.yield
      }) : () -> ()
    } else {
    }
    %barrier3A = arith.constant 0 : index
    tpu.barrier barrier_id(%barrier3A)
    %dma_start3A = arith.constant 0 : i32
    %dma_start3A_8 = arith.constant 0 : i32
    %dma_start3A_9 = tpu.memref_slice %arg6[%dma_start3A, %dma_start3A_8] : memref<125x80xi32, #tpu.memory_space<vmem>> -> memref<1x80xi32, #tpu.memory_space<vmem>>
    %dma_start3A_10 = tpu.memref_squeeze %dma_start3A_9 : memref<1x80xi32, #tpu.memory_space<vmem>> -> memref<80xi32, #tpu.memory_space<vmem>>
    %dma_start3A_11 = arith.constant 0 : i32
    %dma_start3A_12 = arith.constant 0 : i32
    %dma_start3A_13 = tpu.memref_slice %arg2[%dma_start3A_11, %dma_start3A_12] : memref<10000x16xf32, #tpu.memory_space<hbm>> -> memref<10000x16xf32, #tpu.memory_space<hbm>>
    tpu.enqueue_indirect_dma source(%dma_start3A_13 : memref<10000x16xf32, #tpu.memory_space<hbm>>) target(%arg8 : memref<80x16xf32, #tpu.memory_space<vmem>>) offsets(%dma_start3A_10 : memref<80xi32, #tpu.memory_space<vmem>>) semaphore(%arg12 : memref<!tpu.dma_semaphore, #tpu.memory_space<semaphore_mem>>)
    %scan3A_14 = arith.constant 0 : i32
    %scan3A_15 = arith.constant 0 : i32
    %scan3A_16 = arith.constant 62 : i32
    %scan3A_17 = arith.addi %scan3A_15, %scan3A_16 : i32
    %scan3A_18 = arith.constant 1 : i32
    scf.for %scan3A_31 = %scan3A_15 to %scan3A_17 step %scan3A_18  : i32 {
      %mul3A_32 = arith.constant 2 : i32
      %mul3A_33 = arith.muli %mul3A_32, %scan3A_31 : i32
      %add3A_34 = arith.constant 1 : i32
      %add3A_35 = arith.addi %mul3A_33, %add3A_34 : i32
      %dma_start3A_36 = arith.constant 0 : i32
      %dma_start3A_37 = tpu.memref_slice %arg6[%add3A_35, %dma_start3A_36] : memref<125x80xi32, #tpu.memory_space<vmem>> -> memref<1x80xi32, #tpu.memory_space<vmem>>
      %dma_start3A_38 = tpu.memref_squeeze %dma_start3A_37 : memref<1x80xi32, #tpu.memory_space<vmem>> -> memref<80xi32, #tpu.memory_space<vmem>>
      %dma_start3A_39 = arith.constant 0 : i32
      %dma_start3A_40 = arith.constant 0 : i32
      %dma_start3A_41 = tpu.memref_slice %arg2[%dma_start3A_39, %dma_start3A_40] : memref<10000x16xf32, #tpu.memory_space<hbm>> -> memref<10000x16xf32, #tpu.memory_space<hbm>>
      tpu.enqueue_indirect_dma source(%dma_start3A_41 : memref<10000x16xf32, #tpu.memory_space<hbm>>) target(%arg9 : memref<80x16xf32, #tpu.memory_space<vmem>>) offsets(%dma_start3A_38 : memref<80xi32, #tpu.memory_space<vmem>>) semaphore(%arg13 : memref<!tpu.dma_semaphore, #tpu.memory_space<semaphore_mem>>)
      %dma_wait3A_42 = arith.constant 0 : i32
      %dma_wait3A_43 = arith.constant 0 : i32
      %dma_wait3A_44 = tpu.memref_slice %arg2[%dma_wait3A_42, %dma_wait3A_43] : memref<10000x16xf32, #tpu.memory_space<hbm>> -> memref<80x16xf32, #tpu.memory_space<hbm>>
      %dma_wait3A_45 = arith.constant 0 : i32
      %dma_wait3A_46 = arith.constant 0 : i32
      %dma_wait3A_47 = tpu.memref_slice %arg2[%dma_wait3A_45, %dma_wait3A_46] : memref<10000x16xf32, #tpu.memory_space<hbm>> -> memref<80x16xf32, #tpu.memory_space<hbm>>
      tpu.wait_dma2 semaphore(%arg12 : memref<!tpu.dma_semaphore, #tpu.memory_space<semaphore_mem>>) src(%dma_wait3A_47 : memref<80x16xf32, #tpu.memory_space<hbm>>) dst(%arg8 : memref<80x16xf32, #tpu.memory_space<vmem>>)
      "tpu.region"() ({
        %run_scoped3A_64 = tpu.sem_alloc : memref<!tpu.dma_semaphore, #tpu.memory_space<semaphore_mem>>
        %dma_start3A_65 = arith.constant 0 : i32
        %dma_start3A_66 = tpu.memref_slice %arg7[%mul3A_33, %dma_start3A_65] : memref<125x80xi32, #tpu.memory_space<vmem>> -> memref<1x80xi32, #tpu.memory_space<vmem>>
        %dma_start3A_67 = tpu.memref_squeeze %dma_start3A_66 : memref<1x80xi32, #tpu.memory_space<vmem>> -> memref<80xi32, #tpu.memory_space<vmem>>
        %dma_start3A_68 = arith.constant 0 : i32
        %dma_start3A_69 = arith.constant 0 : i32
        %dma_start3A_70 = tpu.memref_slice %arg11[%dma_start3A_68, %dma_start3A_69] : memref<10000x16xf32, #tpu.memory_space<vmem_shared>> -> memref<10000x16xf32, #tpu.memory_space<vmem_shared>>
        tpu.enqueue_indirect_dma source(%arg8 : memref<80x16xf32, #tpu.memory_space<vmem>>) target(%dma_start3A_70 : memref<10000x16xf32, #tpu.memory_space<vmem_shared>>) offsets(%dma_start3A_67 : memref<80xi32, #tpu.memory_space<vmem>>) semaphore(%run_scoped3A_64 : memref<!tpu.dma_semaphore, #tpu.memory_space<semaphore_mem>>) {add = true}
        %dma_wait3A_71 = arith.constant 0 : i32
        %dma_wait3A_72 = tpu.memref_slice %arg7[%mul3A_33, %dma_wait3A_71] : memref<125x80xi32, #tpu.memory_space<vmem>> -> memref<1x80xi32, #tpu.memory_space<vmem>>
        %dma_wait3A_73 = tpu.memref_squeeze %dma_wait3A_72 : memref<1x80xi32, #tpu.memory_space<vmem>> -> memref<80xi32, #tpu.memory_space<vmem>>
        %dma_wait3A_74 = arith.constant 0 : i32
        %dma_wait3A_75 = arith.constant 0 : i32
        %dma_wait3A_76 = tpu.memref_slice %arg11[%dma_wait3A_74, %dma_wait3A_75] : memref<10000x16xf32, #tpu.memory_space<vmem_shared>> -> memref<10000x16xf32, #tpu.memory_space<vmem_shared>>
        tpu.wait_indirect_dma semaphore(%run_scoped3A_64 : memref<!tpu.dma_semaphore, #tpu.memory_space<semaphore_mem>>) src(%arg8 : memref<80x16xf32, #tpu.memory_space<vmem>>) dst(%dma_wait3A_76 : memref<10000x16xf32, #tpu.memory_space<vmem_shared>>)
        tpu.yield
      }) : () -> ()
      %add3A_48 = arith.constant 2 : i32
      %add3A_49 = arith.addi %mul3A_33, %add3A_48 : i32
      %dma_start3A_50 = arith.constant 0 : i32
      %dma_start3A_51 = tpu.memref_slice %arg6[%add3A_49, %dma_start3A_50] : memref<125x80xi32, #tpu.memory_space<vmem>> -> memref<1x80xi32, #tpu.memory_space<vmem>>
      %dma_start3A_52 = tpu.memref_squeeze %dma_start3A_51 : memref<1x80xi32, #tpu.memory_space<vmem>> -> memref<80xi32, #tpu.memory_space<vmem>>
      %dma_start3A_53 = arith.constant 0 : i32
      %dma_start3A_54 = arith.constant 0 : i32
      %dma_start3A_55 = tpu.memref_slice %arg2[%dma_start3A_53, %dma_start3A_54] : memref<10000x16xf32, #tpu.memory_space<hbm>> -> memref<10000x16xf32, #tpu.memory_space<hbm>>
      tpu.enqueue_indirect_dma source(%dma_start3A_55 : memref<10000x16xf32, #tpu.memory_space<hbm>>) target(%arg8 : memref<80x16xf32, #tpu.memory_space<vmem>>) offsets(%dma_start3A_52 : memref<80xi32, #tpu.memory_space<vmem>>) semaphore(%arg12 : memref<!tpu.dma_semaphore, #tpu.memory_space<semaphore_mem>>)
      %dma_wait3A_56 = arith.constant 0 : i32
      %dma_wait3A_57 = arith.constant 0 : i32
      %dma_wait3A_58 = tpu.memref_slice %arg2[%dma_wait3A_56, %dma_wait3A_57] : memref<10000x16xf32, #tpu.memory_space<hbm>> -> memref<80x16xf32, #tpu.memory_space<hbm>>
      %dma_wait3A_59 = arith.constant 0 : i32
      %dma_wait3A_60 = arith.constant 0 : i32
      %dma_wait3A_61 = tpu.memref_slice %arg2[%dma_wait3A_59, %dma_wait3A_60] : memref<10000x16xf32, #tpu.memory_space<hbm>> -> memref<80x16xf32, #tpu.memory_space<hbm>>
      tpu.wait_dma2 semaphore(%arg13 : memref<!tpu.dma_semaphore, #tpu.memory_space<semaphore_mem>>) src(%dma_wait3A_61 : memref<80x16xf32, #tpu.memory_space<hbm>>) dst(%arg9 : memref<80x16xf32, #tpu.memory_space<vmem>>)
      %add3A_62 = arith.constant 1 : i32
      %add3A_63 = arith.addi %mul3A_33, %add3A_62 : i32
      "tpu.region"() ({
        %run_scoped3A_64 = tpu.sem_alloc : memref<!tpu.dma_semaphore, #tpu.memory_space<semaphore_mem>>
        %dma_start3A_65 = arith.constant 0 : i32
        %dma_start3A_66 = tpu.memref_slice %arg7[%add3A_63, %dma_start3A_65] : memref<125x80xi32, #tpu.memory_space<vmem>> -> memref<1x80xi32, #tpu.memory_space<vmem>>
        %dma_start3A_67 = tpu.memref_squeeze %dma_start3A_66 : memref<1x80xi32, #tpu.memory_space<vmem>> -> memref<80xi32, #tpu.memory_space<vmem>>
        %dma_start3A_68 = arith.constant 0 : i32
        %dma_start3A_69 = arith.constant 0 : i32
        %dma_start3A_70 = tpu.memref_slice %arg11[%dma_start3A_68, %dma_start3A_69] : memref<10000x16xf32, #tpu.memory_space<vmem_shared>> -> memref<10000x16xf32, #tpu.memory_space<vmem_shared>>
        tpu.enqueue_indirect_dma source(%arg9 : memref<80x16xf32, #tpu.memory_space<vmem>>) target(%dma_start3A_70 : memref<10000x16xf32, #tpu.memory_space<vmem_shared>>) offsets(%dma_start3A_67 : memref<80xi32, #tpu.memory_space<vmem>>) semaphore(%run_scoped3A_64 : memref<!tpu.dma_semaphore, #tpu.memory_space<semaphore_mem>>) {add = true}
        %dma_wait3A_71 = arith.constant 0 : i32
        %dma_wait3A_72 = tpu.memref_slice %arg7[%add3A_63, %dma_wait3A_71] : memref<125x80xi32, #tpu.memory_space<vmem>> -> memref<1x80xi32, #tpu.memory_space<vmem>>
        %dma_wait3A_73 = tpu.memref_squeeze %dma_wait3A_72 : memref<1x80xi32, #tpu.memory_space<vmem>> -> memref<80xi32, #tpu.memory_space<vmem>>
        %dma_wait3A_74 = arith.constant 0 : i32
        %dma_wait3A_75 = arith.constant 0 : i32
        %dma_wait3A_76 = tpu.memref_slice %arg11[%dma_wait3A_74, %dma_wait3A_75] : memref<10000x16xf32, #tpu.memory_space<vmem_shared>> -> memref<10000x16xf32, #tpu.memory_space<vmem_shared>>
        tpu.wait_indirect_dma semaphore(%run_scoped3A_64 : memref<!tpu.dma_semaphore, #tpu.memory_space<semaphore_mem>>) src(%arg9 : memref<80x16xf32, #tpu.memory_space<vmem>>) dst(%dma_wait3A_76 : memref<10000x16xf32, #tpu.memory_space<vmem_shared>>)
        tpu.yield
      }) : () -> ()
    }
    %scan3A_19 = arith.constant 62 : i32
    %dma_wait3A = arith.constant 0 : i32
    %dma_wait3A_20 = arith.constant 0 : i32
    %dma_wait3A_21 = tpu.memref_slice %arg2[%dma_wait3A, %dma_wait3A_20] : memref<10000x16xf32, #tpu.memory_space<hbm>> -> memref<80x16xf32, #tpu.memory_space<hbm>>
    %dma_wait3A_22 = arith.constant 0 : i32
    %dma_wait3A_23 = arith.constant 0 : i32
    %dma_wait3A_24 = tpu.memref_slice %arg2[%dma_wait3A_22, %dma_wait3A_23] : memref<10000x16xf32, #tpu.memory_space<hbm>> -> memref<80x16xf32, #tpu.memory_space<hbm>>
    tpu.wait_dma2 semaphore(%arg12 : memref<!tpu.dma_semaphore, #tpu.memory_space<semaphore_mem>>) src(%dma_wait3A_24 : memref<80x16xf32, #tpu.memory_space<hbm>>) dst(%arg8 : memref<80x16xf32, #tpu.memory_space<vmem>>)
    %run_scoped3A = arith.constant 124 : i32
    "tpu.region"() ({
      %run_scoped3A_31 = tpu.sem_alloc : memref<!tpu.dma_semaphore, #tpu.memory_space<semaphore_mem>>
      %dma_start3A_32 = arith.constant 0 : i32
      %dma_start3A_33 = tpu.memref_slice %arg7[%run_scoped3A, %dma_start3A_32] : memref<125x80xi32, #tpu.memory_space<vmem>> -> memref<1x80xi32, #tpu.memory_space<vmem>>
      %dma_start3A_34 = tpu.memref_squeeze %dma_start3A_33 : memref<1x80xi32, #tpu.memory_space<vmem>> -> memref<80xi32, #tpu.memory_space<vmem>>
      %dma_start3A_35 = arith.constant 0 : i32
      %dma_start3A_36 = arith.constant 0 : i32
      %dma_start3A_37 = tpu.memref_slice %arg11[%dma_start3A_35, %dma_start3A_36] : memref<10000x16xf32, #tpu.memory_space<vmem_shared>> -> memref<10000x16xf32, #tpu.memory_space<vmem_shared>>
      tpu.enqueue_indirect_dma source(%arg8 : memref<80x16xf32, #tpu.memory_space<vmem>>) target(%dma_start3A_37 : memref<10000x16xf32, #tpu.memory_space<vmem_shared>>) offsets(%dma_start3A_34 : memref<80xi32, #tpu.memory_space<vmem>>) semaphore(%run_scoped3A_31 : memref<!tpu.dma_semaphore, #tpu.memory_space<semaphore_mem>>) {add = true}
      %dma_wait3A_38 = arith.constant 0 : i32
      %dma_wait3A_39 = tpu.memref_slice %arg7[%run_scoped3A, %dma_wait3A_38] : memref<125x80xi32, #tpu.memory_space<vmem>> -> memref<1x80xi32, #tpu.memory_space<vmem>>
      %dma_wait3A_40 = tpu.memref_squeeze %dma_wait3A_39 : memref<1x80xi32, #tpu.memory_space<vmem>> -> memref<80xi32, #tpu.memory_space<vmem>>
      %dma_wait3A_41 = arith.constant 0 : i32
      %dma_wait3A_42 = arith.constant 0 : i32
      %dma_wait3A_43 = tpu.memref_slice %arg11[%dma_wait3A_41, %dma_wait3A_42] : memref<10000x16xf32, #tpu.memory_space<vmem_shared>> -> memref<10000x16xf32, #tpu.memory_space<vmem_shared>>
      tpu.wait_indirect_dma semaphore(%run_scoped3A_31 : memref<!tpu.dma_semaphore, #tpu.memory_space<semaphore_mem>>) src(%arg8 : memref<80x16xf32, #tpu.memory_space<vmem>>) dst(%dma_wait3A_43 : memref<10000x16xf32, #tpu.memory_space<vmem_shared>>)
      tpu.yield
    }) : () -> ()
    %barrier3A_25 = arith.constant 0 : index
    tpu.barrier barrier_id(%barrier3A_25)
    %lt3A_26 = arith.constant 10 : i32
    %lt3A_27 = arith.cmpi slt, %arg1, %lt3A_26 : i32
    %convert_element_type3A_28 = arith.extui %lt3A_27 : i1 to i32
    %cond3A_29 = arith.constant 0 : i32
    %cond3A_30 = arith.cmpi ne, %convert_element_type3A_28, %cond3A_29 : i32
    scf.if %cond3A_30 {
      %mul3A_31 = arith.constant 1000 : i32
      %mul3A_32 = arith.muli %arg1, %mul3A_31 : i32
      "tpu.region"() ({
        %run_scoped3A_33 = tpu.sem_alloc : memref<!tpu.dma_semaphore, #tpu.memory_space<semaphore_mem>>
        %dma_start3A_34 = arith.constant 0 : i32
        %dma_start3A_35 = tpu.memref_slice %arg5[%arg0, %mul3A_32, %dma_start3A_34] : memref<2x10000x16xf32, #tpu.memory_space<hbm>> -> memref<1x1000x16xf32, #tpu.memory_space<hbm>>
        %dma_start3A_36 = tpu.memref_squeeze %dma_start3A_35 : memref<1x1000x16xf32, #tpu.memory_space<hbm>> -> memref<1000x16xf32, #tpu.memory_space<hbm>>
        %dma_start3A_37 = arith.constant 0 : i32
        %dma_start3A_38 = tpu.memref_slice %arg11[%mul3A_32, %dma_start3A_37] : memref<10000x16xf32, #tpu.memory_space<vmem_shared>> -> memref<1000x16xf32, #tpu.memory_space<vmem_shared>>
        tpu.enqueue_dma source(%dma_start3A_38 : memref<1000x16xf32, #tpu.memory_space<vmem_shared>>) target(%dma_start3A_36 : memref<1000x16xf32, #tpu.memory_space<hbm>>) target_semaphore(%run_scoped3A_33 : memref<!tpu.dma_semaphore, #tpu.memory_space<semaphore_mem>>)
        %dma_wait3A_39 = arith.constant 0 : i32
        %dma_wait3A_40 = tpu.memref_slice %arg5[%arg0, %mul3A_32, %dma_wait3A_39] : memref<2x10000x16xf32, #tpu.memory_space<hbm>> -> memref<1x1000x16xf32, #tpu.memory_space<hbm>>
        %dma_wait3A_41 = tpu.memref_squeeze %dma_wait3A_40 : memref<1x1000x16xf32, #tpu.memory_space<hbm>> -> memref<1000x16xf32, #tpu.memory_space<hbm>>
        %dma_wait3A_42 = arith.constant 0 : i32
        %dma_wait3A_43 = tpu.memref_slice %arg11[%mul3A_32, %dma_wait3A_42] : memref<10000x16xf32, #tpu.memory_space<vmem_shared>> -> memref<1000x16xf32, #tpu.memory_space<vmem_shared>>
        tpu.wait_dma2 semaphore(%run_scoped3A_33 : memref<!tpu.dma_semaphore, #tpu.memory_space<semaphore_mem>>) src(%dma_wait3A_43 : memref<1000x16xf32, #tpu.memory_space<vmem_shared>>) dst(%dma_wait3A_41 : memref<1000x16xf32, #tpu.memory_space<hbm>>)
        tpu.yield
      }) : () -> ()
    } else {
    }
    return
  }
}

#map = affine_map<(d0, d1) -> (0, 0)>
#map1 = affine_map<(d0, d1) -> (0, 0, 0)>
module attributes {stable_mosaic.version = 14 : i64} {
  func.func @body(%arg0: i32, %arg1: i32, %arg2: memref<10000x16xf32, #tpu.memory_space<hbm>>, %arg3: memref<32x125x80xi32, #tpu.memory_space<hbm>>, %arg4: memref<32x125x80xi32, #tpu.memory_space<hbm>>, %arg5: memref<2x10000x16xf32, #tpu.memory_space<hbm>>, %arg6: memref<2x10000x16xf32, #tpu.memory_space<hbm>>, %arg7: memref<125x80xi32, #tpu.memory_space<vmem>>, %arg8: memref<125x80xi32, #tpu.memory_space<vmem>>, %arg9: memref<80x16xf32, #tpu.memory_space<vmem>>, %arg10: memref<80x16xf32, #tpu.memory_space<vmem>>, %arg11: memref<1000x16xf32, #tpu.memory_space<vmem>>, %arg12: memref<10000x16xf32, #tpu.memory_space<vmem_shared>>, %arg13: memref<!tpu.dma_semaphore, #tpu.memory_space<semaphore_mem>>, %arg14: memref<!tpu.dma_semaphore, #tpu.memory_space<semaphore_mem>>, %arg15: memref<80x16xf32, #tpu.memory_space<vmem>>, %arg16: memref<10000x16xf32, #tpu.memory_space<vmem_shared>>) attributes {dimension_semantics = [#tpu.dimension_semantics<core_parallel>, #tpu.dimension_semantics<subcore_parallel>], iteration_bounds = array<i64: 2, 16>, scalar_prefetch = 0 : i64, scratch_operands = 10 : i64, tpu.core_type = #tpu.core_type<sc_vector_subcore>, window_params = [{transform_indices = #map}, {transform_indices = #map1}, {transform_indices = #map1}, {transform_indices = #map1}, {transform_indices = #map1}]} {
    %mul3A = arith.constant 16 : i32
    %mul3A_0 = arith.muli %arg0, %mul3A : i32
    %add3A = arith.addi %mul3A_0, %arg1 : i32
    "tpu.region"() ({
      %run_scoped3A_38 = tpu.sem_alloc : memref<!tpu.dma_semaphore, #tpu.memory_space<semaphore_mem>>
      %dma_start3A_39 = arith.constant 0 : i32
      %dma_start3A_40 = arith.constant 0 : i32
      %dma_start3A_41 = tpu.memref_slice %arg3[%add3A, %dma_start3A_39, %dma_start3A_40] : memref<32x125x80xi32, #tpu.memory_space<hbm>> -> memref<1x125x80xi32, #tpu.memory_space<hbm>>
      %dma_start3A_42 = tpu.memref_squeeze %dma_start3A_41 : memref<1x125x80xi32, #tpu.memory_space<hbm>> -> memref<125x80xi32, #tpu.memory_space<hbm>>
      %dma_start3A_43 = arith.constant 0 : i32
      %dma_start3A_44 = arith.constant 0 : i32
      %dma_start3A_45 = tpu.memref_slice %arg3[%add3A, %dma_start3A_43, %dma_start3A_44] : memref<32x125x80xi32, #tpu.memory_space<hbm>> -> memref<1x125x80xi32, #tpu.memory_space<hbm>>
      %dma_start3A_46 = tpu.memref_squeeze %dma_start3A_45 : memref<1x125x80xi32, #tpu.memory_space<hbm>> -> memref<125x80xi32, #tpu.memory_space<hbm>>
      tpu.enqueue_dma source(%dma_start3A_46 : memref<125x80xi32, #tpu.memory_space<hbm>>) target(%arg7 : memref<125x80xi32, #tpu.memory_space<vmem>>) target_semaphore(%run_scoped3A_38 : memref<!tpu.dma_semaphore, #tpu.memory_space<semaphore_mem>>)
      %dma_wait3A_47 = arith.constant 0 : i32
      %dma_wait3A_48 = arith.constant 0 : i32
      %dma_wait3A_49 = tpu.memref_slice %arg3[%add3A, %dma_wait3A_47, %dma_wait3A_48] : memref<32x125x80xi32, #tpu.memory_space<hbm>> -> memref<1x125x80xi32, #tpu.memory_space<hbm>>
      %dma_wait3A_50 = tpu.memref_squeeze %dma_wait3A_49 : memref<1x125x80xi32, #tpu.memory_space<hbm>> -> memref<125x80xi32, #tpu.memory_space<hbm>>
      %dma_wait3A_51 = arith.constant 0 : i32
      %dma_wait3A_52 = arith.constant 0 : i32
      %dma_wait3A_53 = tpu.memref_slice %arg3[%add3A, %dma_wait3A_51, %dma_wait3A_52] : memref<32x125x80xi32, #tpu.memory_space<hbm>> -> memref<1x125x80xi32, #tpu.memory_space<hbm>>
      %dma_wait3A_54 = tpu.memref_squeeze %dma_wait3A_53 : memref<1x125x80xi32, #tpu.memory_space<hbm>> -> memref<125x80xi32, #tpu.memory_space<hbm>>
      tpu.wait_dma2 semaphore(%run_scoped3A_38 : memref<!tpu.dma_semaphore, #tpu.memory_space<semaphore_mem>>) src(%dma_wait3A_54 : memref<125x80xi32, #tpu.memory_space<hbm>>) dst(%arg7 : memref<125x80xi32, #tpu.memory_space<vmem>>)
      tpu.yield
    }) : () -> ()
    "tpu.region"() ({
      %run_scoped3A_38 = tpu.sem_alloc : memref<!tpu.dma_semaphore, #tpu.memory_space<semaphore_mem>>
      %dma_start3A_39 = arith.constant 0 : i32
      %dma_start3A_40 = arith.constant 0 : i32
      %dma_start3A_41 = tpu.memref_slice %arg4[%add3A, %dma_start3A_39, %dma_start3A_40] : memref<32x125x80xi32, #tpu.memory_space<hbm>> -> memref<1x125x80xi32, #tpu.memory_space<hbm>>
      %dma_start3A_42 = tpu.memref_squeeze %dma_start3A_41 : memref<1x125x80xi32, #tpu.memory_space<hbm>> -> memref<125x80xi32, #tpu.memory_space<hbm>>
      %dma_start3A_43 = arith.constant 0 : i32
      %dma_start3A_44 = arith.constant 0 : i32
      %dma_start3A_45 = tpu.memref_slice %arg4[%add3A, %dma_start3A_43, %dma_start3A_44] : memref<32x125x80xi32, #tpu.memory_space<hbm>> -> memref<1x125x80xi32, #tpu.memory_space<hbm>>
      %dma_start3A_46 = tpu.memref_squeeze %dma_start3A_45 : memref<1x125x80xi32, #tpu.memory_space<hbm>> -> memref<125x80xi32, #tpu.memory_space<hbm>>
      tpu.enqueue_dma source(%dma_start3A_46 : memref<125x80xi32, #tpu.memory_space<hbm>>) target(%arg8 : memref<125x80xi32, #tpu.memory_space<vmem>>) target_semaphore(%run_scoped3A_38 : memref<!tpu.dma_semaphore, #tpu.memory_space<semaphore_mem>>)
      %dma_wait3A_47 = arith.constant 0 : i32
      %dma_wait3A_48 = arith.constant 0 : i32
      %dma_wait3A_49 = tpu.memref_slice %arg4[%add3A, %dma_wait3A_47, %dma_wait3A_48] : memref<32x125x80xi32, #tpu.memory_space<hbm>> -> memref<1x125x80xi32, #tpu.memory_space<hbm>>
      %dma_wait3A_50 = tpu.memref_squeeze %dma_wait3A_49 : memref<1x125x80xi32, #tpu.memory_space<hbm>> -> memref<125x80xi32, #tpu.memory_space<hbm>>
      %dma_wait3A_51 = arith.constant 0 : i32
      %dma_wait3A_52 = arith.constant 0 : i32
      %dma_wait3A_53 = tpu.memref_slice %arg4[%add3A, %dma_wait3A_51, %dma_wait3A_52] : memref<32x125x80xi32, #tpu.memory_space<hbm>> -> memref<1x125x80xi32, #tpu.memory_space<hbm>>
      %dma_wait3A_54 = tpu.memref_squeeze %dma_wait3A_53 : memref<1x125x80xi32, #tpu.memory_space<hbm>> -> memref<125x80xi32, #tpu.memory_space<hbm>>
      tpu.wait_dma2 semaphore(%run_scoped3A_38 : memref<!tpu.dma_semaphore, #tpu.memory_space<semaphore_mem>>) src(%dma_wait3A_54 : memref<125x80xi32, #tpu.memory_space<hbm>>) dst(%arg8 : memref<125x80xi32, #tpu.memory_space<vmem>>)
      tpu.yield
    }) : () -> ()
    %scan3A = arith.constant 0 : i32
    %scan3A_1 = arith.constant 0 : i32
    %scan3A_2 = arith.constant 1000 : i32
    %scan3A_3 = arith.addi %scan3A_1, %scan3A_2 : i32
    %scan3A_4 = arith.constant 1 : i32
    scf.for %scan3A_38 = %scan3A_1 to %scan3A_3 step %scan3A_4  : i32 {
      %broadcast_in_dim3A = arith.constant 0.000000e+00 : f32
      %broadcast_in_dim3A_39 = vector.broadcast %broadcast_in_dim3A : f32 to vector<16xf32>
      %swap3A = arith.index_cast %scan3A_38 : i32 to index
      %swap3A_40 = arith.constant 0 : index
      %swap3A_41 = tpu.vector_load %arg11[%swap3A, %swap3A_40] {strides = array<i32>} : memref<1000x16xf32, #tpu.memory_space<vmem>>, vector<1x16xf32>,
      %swap3A_42 = vector.shape_cast %swap3A_41 : vector<1x16xf32> to vector<16xf32>
      %swap3A_43 = vector.shape_cast %broadcast_in_dim3A_39 : vector<16xf32> to vector<1x16xf32>
      tpu.vector_store %arg11[%swap3A, %swap3A_40], %swap3A_43 {strides = array<i32>} : memref<1000x16xf32, #tpu.memory_space<vmem>>, vector<1x16xf32>,
    }
    %scan3A_5 = arith.constant 1000 : i32
    %lt3A = arith.constant 10 : i32
    %lt3A_6 = arith.cmpi slt, %arg1, %lt3A : i32
    %convert_element_type3A = arith.extui %lt3A_6 : i1 to i32
    %cond3A = arith.constant 0 : i32
    %cond3A_7 = arith.cmpi ne, %convert_element_type3A, %cond3A : i32
    scf.if %cond3A_7 {
      %mul3A_38 = arith.constant 1000 : i32
      %mul3A_39 = arith.muli %arg1, %mul3A_38 : i32
      "tpu.region"() ({
        %run_scoped3A_42 = tpu.sem_alloc : memref<!tpu.dma_semaphore, #tpu.memory_space<semaphore_mem>>
        %dma_start3A_43 = arith.constant 0 : i32
        %dma_start3A_44 = tpu.memref_slice %arg12[%mul3A_39, %dma_start3A_43] : memref<10000x16xf32, #tpu.memory_space<vmem_shared>> -> memref<1000x16xf32, #tpu.memory_space<vmem_shared>>
        %dma_start3A_45 = arith.constant 0 : i32
        %dma_start3A_46 = tpu.memref_slice %arg12[%mul3A_39, %dma_start3A_45] : memref<10000x16xf32, #tpu.memory_space<vmem_shared>> -> memref<1000x16xf32, #tpu.memory_space<vmem_shared>>
        tpu.enqueue_dma source(%arg11 : memref<1000x16xf32, #tpu.memory_space<vmem>>) target(%dma_start3A_46 : memref<1000x16xf32, #tpu.memory_space<vmem_shared>>) target_semaphore(%run_scoped3A_42 : memref<!tpu.dma_semaphore, #tpu.memory_space<semaphore_mem>>)
        %dma_wait3A_47 = arith.constant 0 : i32
        %dma_wait3A_48 = tpu.memref_slice %arg12[%mul3A_39, %dma_wait3A_47] : memref<10000x16xf32, #tpu.memory_space<vmem_shared>> -> memref<1000x16xf32, #tpu.memory_space<vmem_shared>>
        %dma_wait3A_49 = arith.constant 0 : i32
        %dma_wait3A_50 = tpu.memref_slice %arg12[%mul3A_39, %dma_wait3A_49] : memref<10000x16xf32, #tpu.memory_space<vmem_shared>> -> memref<1000x16xf32, #tpu.memory_space<vmem_shared>>
        tpu.wait_dma2 semaphore(%run_scoped3A_42 : memref<!tpu.dma_semaphore, #tpu.memory_space<semaphore_mem>>) src(%arg11 : memref<1000x16xf32, #tpu.memory_space<vmem>>) dst(%dma_wait3A_50 : memref<1000x16xf32, #tpu.memory_space<vmem_shared>>)
        tpu.yield
      }) : () -> ()
      %mul3A_40 = arith.constant 1000 : i32
      %mul3A_41 = arith.muli %arg1, %mul3A_40 : i32
      "tpu.region"() ({
        %run_scoped3A_42 = tpu.sem_alloc : memref<!tpu.dma_semaphore, #tpu.memory_space<semaphore_mem>>
        %dma_start3A_43 = arith.constant 0 : i32
        %dma_start3A_44 = tpu.memref_slice %arg16[%mul3A_41, %dma_start3A_43] : memref<10000x16xf32, #tpu.memory_space<vmem_shared>> -> memref<1000x16xf32, #tpu.memory_space<vmem_shared>>
        %dma_start3A_45 = arith.constant 0 : i32
        %dma_start3A_46 = tpu.memref_slice %arg16[%mul3A_41, %dma_start3A_45] : memref<10000x16xf32, #tpu.memory_space<vmem_shared>> -> memref<1000x16xf32, #tpu.memory_space<vmem_shared>>
        tpu.enqueue_dma source(%arg11 : memref<1000x16xf32, #tpu.memory_space<vmem>>) target(%dma_start3A_46 : memref<1000x16xf32, #tpu.memory_space<vmem_shared>>) target_semaphore(%run_scoped3A_42 : memref<!tpu.dma_semaphore, #tpu.memory_space<semaphore_mem>>)
        %dma_wait3A_47 = arith.constant 0 : i32
        %dma_wait3A_48 = tpu.memref_slice %arg16[%mul3A_41, %dma_wait3A_47] : memref<10000x16xf32, #tpu.memory_space<vmem_shared>> -> memref<1000x16xf32, #tpu.memory_space<vmem_shared>>
        %dma_wait3A_49 = arith.constant 0 : i32
        %dma_wait3A_50 = tpu.memref_slice %arg16[%mul3A_41, %dma_wait3A_49] : memref<10000x16xf32, #tpu.memory_space<vmem_shared>> -> memref<1000x16xf32, #tpu.memory_space<vmem_shared>>
        tpu.wait_dma2 semaphore(%run_scoped3A_42 : memref<!tpu.dma_semaphore, #tpu.memory_space<semaphore_mem>>) src(%arg11 : memref<1000x16xf32, #tpu.memory_space<vmem>>) dst(%dma_wait3A_50 : memref<1000x16xf32, #tpu.memory_space<vmem_shared>>)
        tpu.yield
      }) : () -> ()
    } else {
    }
    %scan3A_8 = arith.constant 0 : i32
    %scan3A_9 = arith.constant 0 : i32
    %scan3A_10 = arith.constant 80 : i32
    %scan3A_11 = arith.addi %scan3A_9, %scan3A_10 : i32
    %scan3A_12 = arith.constant 1 : i32
    scf.for %scan3A_38 = %scan3A_9 to %scan3A_11 step %scan3A_12  : i32 {
      %broadcast_in_dim3A = arith.constant 1.000000e+00 : f32
      %broadcast_in_dim3A_39 = vector.broadcast %broadcast_in_dim3A : f32 to vector<16xf32>
      %swap3A = arith.index_cast %scan3A_38 : i32 to index
      %swap3A_40 = arith.constant 0 : index
      %swap3A_41 = tpu.vector_load %arg15[%swap3A, %swap3A_40] {strides = array<i32>} : memref<80x16xf32, #tpu.memory_space<vmem>>, vector<1x16xf32>,
      %swap3A_42 = vector.shape_cast %swap3A_41 : vector<1x16xf32> to vector<16xf32>
      %swap3A_43 = vector.shape_cast %broadcast_in_dim3A_39 : vector<16xf32> to vector<1x16xf32>
      tpu.vector_store %arg15[%swap3A, %swap3A_40], %swap3A_43 {strides = array<i32>} : memref<80x16xf32, #tpu.memory_space<vmem>>, vector<1x16xf32>,
    }
    %scan3A_13 = arith.constant 80 : i32
    %barrier3A = arith.constant 0 : index
    tpu.barrier barrier_id(%barrier3A)
    %dma_start3A = arith.constant 0 : i32
    %dma_start3A_14 = arith.constant 0 : i32
    %dma_start3A_15 = tpu.memref_slice %arg7[%dma_start3A, %dma_start3A_14] : memref<125x80xi32, #tpu.memory_space<vmem>> -> memref<1x80xi32, #tpu.memory_space<vmem>>
    %dma_start3A_16 = tpu.memref_squeeze %dma_start3A_15 : memref<1x80xi32, #tpu.memory_space<vmem>> -> memref<80xi32, #tpu.memory_space<vmem>>
    %dma_start3A_17 = arith.constant 0 : i32
    %dma_start3A_18 = arith.constant 0 : i32
    %dma_start3A_19 = tpu.memref_slice %arg2[%dma_start3A_17, %dma_start3A_18] : memref<10000x16xf32, #tpu.memory_space<hbm>> -> memref<10000x16xf32, #tpu.memory_space<hbm>>
    tpu.enqueue_indirect_dma source(%dma_start3A_19 : memref<10000x16xf32, #tpu.memory_space<hbm>>) target(%arg9 : memref<80x16xf32, #tpu.memory_space<vmem>>) offsets(%dma_start3A_16 : memref<80xi32, #tpu.memory_space<vmem>>) semaphore(%arg13 : memref<!tpu.dma_semaphore, #tpu.memory_space<semaphore_mem>>)
    %scan3A_20 = arith.constant 0 : i32
    %scan3A_21 = arith.constant 0 : i32
    %scan3A_22 = arith.constant 62 : i32
    %scan3A_23 = arith.addi %scan3A_21, %scan3A_22 : i32
    %scan3A_24 = arith.constant 1 : i32
    scf.for %scan3A_38 = %scan3A_21 to %scan3A_23 step %scan3A_24  : i32 {
      %mul3A_39 = arith.constant 2 : i32
      %mul3A_40 = arith.muli %mul3A_39, %scan3A_38 : i32
      %add3A_41 = arith.constant 1 : i32
      %add3A_42 = arith.addi %mul3A_40, %add3A_41 : i32
      %dma_start3A_43 = arith.constant 0 : i32
      %dma_start3A_44 = tpu.memref_slice %arg7[%add3A_42, %dma_start3A_43] : memref<125x80xi32, #tpu.memory_space<vmem>> -> memref<1x80xi32, #tpu.memory_space<vmem>>
      %dma_start3A_45 = tpu.memref_squeeze %dma_start3A_44 : memref<1x80xi32, #tpu.memory_space<vmem>> -> memref<80xi32, #tpu.memory_space<vmem>>
      %dma_start3A_46 = arith.constant 0 : i32
      %dma_start3A_47 = arith.constant 0 : i32
      %dma_start3A_48 = tpu.memref_slice %arg2[%dma_start3A_46, %dma_start3A_47] : memref<10000x16xf32, #tpu.memory_space<hbm>> -> memref<10000x16xf32, #tpu.memory_space<hbm>>
      tpu.enqueue_indirect_dma source(%dma_start3A_48 : memref<10000x16xf32, #tpu.memory_space<hbm>>) target(%arg10 : memref<80x16xf32, #tpu.memory_space<vmem>>) offsets(%dma_start3A_45 : memref<80xi32, #tpu.memory_space<vmem>>) semaphore(%arg14 : memref<!tpu.dma_semaphore, #tpu.memory_space<semaphore_mem>>)
      %dma_wait3A_49 = arith.constant 0 : i32
      %dma_wait3A_50 = arith.constant 0 : i32
      %dma_wait3A_51 = tpu.memref_slice %arg2[%dma_wait3A_49, %dma_wait3A_50] : memref<10000x16xf32, #tpu.memory_space<hbm>> -> memref<80x16xf32, #tpu.memory_space<hbm>>
      %dma_wait3A_52 = arith.constant 0 : i32
      %dma_wait3A_53 = arith.constant 0 : i32
      %dma_wait3A_54 = tpu.memref_slice %arg2[%dma_wait3A_52, %dma_wait3A_53] : memref<10000x16xf32, #tpu.memory_space<hbm>> -> memref<80x16xf32, #tpu.memory_space<hbm>>
      tpu.wait_dma2 semaphore(%arg13 : memref<!tpu.dma_semaphore, #tpu.memory_space<semaphore_mem>>) src(%dma_wait3A_54 : memref<80x16xf32, #tpu.memory_space<hbm>>) dst(%arg9 : memref<80x16xf32, #tpu.memory_space<vmem>>)
      "tpu.region"() ({
        %run_scoped3A_71 = tpu.sem_alloc : memref<!tpu.dma_semaphore, #tpu.memory_space<semaphore_mem>>
        %dma_start3A_72 = arith.constant 0 : i32
        %dma_start3A_73 = tpu.memref_slice %arg8[%mul3A_40, %dma_start3A_72] : memref<125x80xi32, #tpu.memory_space<vmem>> -> memref<1x80xi32, #tpu.memory_space<vmem>>
        %dma_start3A_74 = tpu.memref_squeeze %dma_start3A_73 : memref<1x80xi32, #tpu.memory_space<vmem>> -> memref<80xi32, #tpu.memory_space<vmem>>
        %dma_start3A_75 = arith.constant 0 : i32
        %dma_start3A_76 = arith.constant 0 : i32
        %dma_start3A_77 = tpu.memref_slice %arg12[%dma_start3A_75, %dma_start3A_76] : memref<10000x16xf32, #tpu.memory_space<vmem_shared>> -> memref<10000x16xf32, #tpu.memory_space<vmem_shared>>
        tpu.enqueue_indirect_dma source(%arg9 : memref<80x16xf32, #tpu.memory_space<vmem>>) target(%dma_start3A_77 : memref<10000x16xf32, #tpu.memory_space<vmem_shared>>) offsets(%dma_start3A_74 : memref<80xi32, #tpu.memory_space<vmem>>) semaphore(%run_scoped3A_71 : memref<!tpu.dma_semaphore, #tpu.memory_space<semaphore_mem>>) {add = true}
        %dma_wait3A_78 = arith.constant 0 : i32
        %dma_wait3A_79 = tpu.memref_slice %arg8[%mul3A_40, %dma_wait3A_78] : memref<125x80xi32, #tpu.memory_space<vmem>> -> memref<1x80xi32, #tpu.memory_space<vmem>>
        %dma_wait3A_80 = tpu.memref_squeeze %dma_wait3A_79 : memref<1x80xi32, #tpu.memory_space<vmem>> -> memref<80xi32, #tpu.memory_space<vmem>>
        %dma_wait3A_81 = arith.constant 0 : i32
        %dma_wait3A_82 = arith.constant 0 : i32
        %dma_wait3A_83 = tpu.memref_slice %arg12[%dma_wait3A_81, %dma_wait3A_82] : memref<10000x16xf32, #tpu.memory_space<vmem_shared>> -> memref<10000x16xf32, #tpu.memory_space<vmem_shared>>
        tpu.wait_indirect_dma semaphore(%run_scoped3A_71 : memref<!tpu.dma_semaphore, #tpu.memory_space<semaphore_mem>>) src(%arg9 : memref<80x16xf32, #tpu.memory_space<vmem>>) dst(%dma_wait3A_83 : memref<10000x16xf32, #tpu.memory_space<vmem_shared>>)
        tpu.yield
      }) : () -> ()
      "tpu.region"() ({
        %run_scoped3A_71 = tpu.sem_alloc : memref<!tpu.dma_semaphore, #tpu.memory_space<semaphore_mem>>
        %dma_start3A_72 = arith.constant 0 : i32
        %dma_start3A_73 = tpu.memref_slice %arg8[%mul3A_40, %dma_start3A_72] : memref<125x80xi32, #tpu.memory_space<vmem>> -> memref<1x80xi32, #tpu.memory_space<vmem>>
        %dma_start3A_74 = tpu.memref_squeeze %dma_start3A_73 : memref<1x80xi32, #tpu.memory_space<vmem>> -> memref<80xi32, #tpu.memory_space<vmem>>
        %dma_start3A_75 = arith.constant 0 : i32
        %dma_start3A_76 = arith.constant 0 : i32
        %dma_start3A_77 = tpu.memref_slice %arg16[%dma_start3A_75, %dma_start3A_76] : memref<10000x16xf32, #tpu.memory_space<vmem_shared>> -> memref<10000x16xf32, #tpu.memory_space<vmem_shared>>
        tpu.enqueue_indirect_dma source(%arg15 : memref<80x16xf32, #tpu.memory_space<vmem>>) target(%dma_start3A_77 : memref<10000x16xf32, #tpu.memory_space<vmem_shared>>) offsets(%dma_start3A_74 : memref<80xi32, #tpu.memory_space<vmem>>) semaphore(%run_scoped3A_71 : memref<!tpu.dma_semaphore, #tpu.memory_space<semaphore_mem>>) {add = true}
        %dma_wait3A_78 = arith.constant 0 : i32
        %dma_wait3A_79 = tpu.memref_slice %arg8[%mul3A_40, %dma_wait3A_78] : memref<125x80xi32, #tpu.memory_space<vmem>> -> memref<1x80xi32, #tpu.memory_space<vmem>>
        %dma_wait3A_80 = tpu.memref_squeeze %dma_wait3A_79 : memref<1x80xi32, #tpu.memory_space<vmem>> -> memref<80xi32, #tpu.memory_space<vmem>>
        %dma_wait3A_81 = arith.constant 0 : i32
        %dma_wait3A_82 = arith.constant 0 : i32
        %dma_wait3A_83 = tpu.memref_slice %arg16[%dma_wait3A_81, %dma_wait3A_82] : memref<10000x16xf32, #tpu.memory_space<vmem_shared>> -> memref<10000x16xf32, #tpu.memory_space<vmem_shared>>
        tpu.wait_indirect_dma semaphore(%run_scoped3A_71 : memref<!tpu.dma_semaphore, #tpu.memory_space<semaphore_mem>>) src(%arg15 : memref<80x16xf32, #tpu.memory_space<vmem>>) dst(%dma_wait3A_83 : memref<10000x16xf32, #tpu.memory_space<vmem_shared>>)
        tpu.yield
      }) : () -> ()
      %add3A_55 = arith.constant 2 : i32
      %add3A_56 = arith.addi %mul3A_40, %add3A_55 : i32
      %dma_start3A_57 = arith.constant 0 : i32
      %dma_start3A_58 = tpu.memref_slice %arg7[%add3A_56, %dma_start3A_57] : memref<125x80xi32, #tpu.memory_space<vmem>> -> memref<1x80xi32, #tpu.memory_space<vmem>>
      %dma_start3A_59 = tpu.memref_squeeze %dma_start3A_58 : memref<1x80xi32, #tpu.memory_space<vmem>> -> memref<80xi32, #tpu.memory_space<vmem>>
      %dma_start3A_60 = arith.constant 0 : i32
      %dma_start3A_61 = arith.constant 0 : i32
      %dma_start3A_62 = tpu.memref_slice %arg2[%dma_start3A_60, %dma_start3A_61] : memref<10000x16xf32, #tpu.memory_space<hbm>> -> memref<10000x16xf32, #tpu.memory_space<hbm>>
      tpu.enqueue_indirect_dma source(%dma_start3A_62 : memref<10000x16xf32, #tpu.memory_space<hbm>>) target(%arg9 : memref<80x16xf32, #tpu.memory_space<vmem>>) offsets(%dma_start3A_59 : memref<80xi32, #tpu.memory_space<vmem>>) semaphore(%arg13 : memref<!tpu.dma_semaphore, #tpu.memory_space<semaphore_mem>>)
      %dma_wait3A_63 = arith.constant 0 : i32
      %dma_wait3A_64 = arith.constant 0 : i32
      %dma_wait3A_65 = tpu.memref_slice %arg2[%dma_wait3A_63, %dma_wait3A_64] : memref<10000x16xf32, #tpu.memory_space<hbm>> -> memref<80x16xf32, #tpu.memory_space<hbm>>
      %dma_wait3A_66 = arith.constant 0 : i32
      %dma_wait3A_67 = arith.constant 0 : i32
      %dma_wait3A_68 = tpu.memref_slice %arg2[%dma_wait3A_66, %dma_wait3A_67] : memref<10000x16xf32, #tpu.memory_space<hbm>> -> memref<80x16xf32, #tpu.memory_space<hbm>>
      tpu.wait_dma2 semaphore(%arg14 : memref<!tpu.dma_semaphore, #tpu.memory_space<semaphore_mem>>) src(%dma_wait3A_68 : memref<80x16xf32, #tpu.memory_space<hbm>>) dst(%arg10 : memref<80x16xf32, #tpu.memory_space<vmem>>)
      %add3A_69 = arith.constant 1 : i32
      %add3A_70 = arith.addi %mul3A_40, %add3A_69 : i32
      "tpu.region"() ({
        %run_scoped3A_71 = tpu.sem_alloc : memref<!tpu.dma_semaphore, #tpu.memory_space<semaphore_mem>>
        %dma_start3A_72 = arith.constant 0 : i32
        %dma_start3A_73 = tpu.memref_slice %arg8[%add3A_70, %dma_start3A_72] : memref<125x80xi32, #tpu.memory_space<vmem>> -> memref<1x80xi32, #tpu.memory_space<vmem>>
        %dma_start3A_74 = tpu.memref_squeeze %dma_start3A_73 : memref<1x80xi32, #tpu.memory_space<vmem>> -> memref<80xi32, #tpu.memory_space<vmem>>
        %dma_start3A_75 = arith.constant 0 : i32
        %dma_start3A_76 = arith.constant 0 : i32
        %dma_start3A_77 = tpu.memref_slice %arg12[%dma_start3A_75, %dma_start3A_76] : memref<10000x16xf32, #tpu.memory_space<vmem_shared>> -> memref<10000x16xf32, #tpu.memory_space<vmem_shared>>
        tpu.enqueue_indirect_dma source(%arg10 : memref<80x16xf32, #tpu.memory_space<vmem>>) target(%dma_start3A_77 : memref<10000x16xf32, #tpu.memory_space<vmem_shared>>) offsets(%dma_start3A_74 : memref<80xi32, #tpu.memory_space<vmem>>) semaphore(%run_scoped3A_71 : memref<!tpu.dma_semaphore, #tpu.memory_space<semaphore_mem>>) {add = true}
        %dma_wait3A_78 = arith.constant 0 : i32
        %dma_wait3A_79 = tpu.memref_slice %arg8[%add3A_70, %dma_wait3A_78] : memref<125x80xi32, #tpu.memory_space<vmem>> -> memref<1x80xi32, #tpu.memory_space<vmem>>
        %dma_wait3A_80 = tpu.memref_squeeze %dma_wait3A_79 : memref<1x80xi32, #tpu.memory_space<vmem>> -> memref<80xi32, #tpu.memory_space<vmem>>
        %dma_wait3A_81 = arith.constant 0 : i32
        %dma_wait3A_82 = arith.constant 0 : i32
        %dma_wait3A_83 = tpu.memref_slice %arg12[%dma_wait3A_81, %dma_wait3A_82] : memref<10000x16xf32, #tpu.memory_space<vmem_shared>> -> memref<10000x16xf32, #tpu.memory_space<vmem_shared>>
        tpu.wait_indirect_dma semaphore(%run_scoped3A_71 : memref<!tpu.dma_semaphore, #tpu.memory_space<semaphore_mem>>) src(%arg10 : memref<80x16xf32, #tpu.memory_space<vmem>>) dst(%dma_wait3A_83 : memref<10000x16xf32, #tpu.memory_space<vmem_shared>>)
        tpu.yield
      }) : () -> ()
      "tpu.region"() ({
        %run_scoped3A_71 = tpu.sem_alloc : memref<!tpu.dma_semaphore, #tpu.memory_space<semaphore_mem>>
        %dma_start3A_72 = arith.constant 0 : i32
        %dma_start3A_73 = tpu.memref_slice %arg8[%add3A_70, %dma_start3A_72] : memref<125x80xi32, #tpu.memory_space<vmem>> -> memref<1x80xi32, #tpu.memory_space<vmem>>
        %dma_start3A_74 = tpu.memref_squeeze %dma_start3A_73 : memref<1x80xi32, #tpu.memory_space<vmem>> -> memref<80xi32, #tpu.memory_space<vmem>>
        %dma_start3A_75 = arith.constant 0 : i32
        %dma_start3A_76 = arith.constant 0 : i32
        %dma_start3A_77 = tpu.memref_slice %arg16[%dma_start3A_75, %dma_start3A_76] : memref<10000x16xf32, #tpu.memory_space<vmem_shared>> -> memref<10000x16xf32, #tpu.memory_space<vmem_shared>>
        tpu.enqueue_indirect_dma source(%arg15 : memref<80x16xf32, #tpu.memory_space<vmem>>) target(%dma_start3A_77 : memref<10000x16xf32, #tpu.memory_space<vmem_shared>>) offsets(%dma_start3A_74 : memref<80xi32, #tpu.memory_space<vmem>>) semaphore(%run_scoped3A_71 : memref<!tpu.dma_semaphore, #tpu.memory_space<semaphore_mem>>) {add = true}
        %dma_wait3A_78 = arith.constant 0 : i32
        %dma_wait3A_79 = tpu.memref_slice %arg8[%add3A_70, %dma_wait3A_78] : memref<125x80xi32, #tpu.memory_space<vmem>> -> memref<1x80xi32, #tpu.memory_space<vmem>>
        %dma_wait3A_80 = tpu.memref_squeeze %dma_wait3A_79 : memref<1x80xi32, #tpu.memory_space<vmem>> -> memref<80xi32, #tpu.memory_space<vmem>>
        %dma_wait3A_81 = arith.constant 0 : i32
        %dma_wait3A_82 = arith.constant 0 : i32
        %dma_wait3A_83 = tpu.memref_slice %arg16[%dma_wait3A_81, %dma_wait3A_82] : memref<10000x16xf32, #tpu.memory_space<vmem_shared>> -> memref<10000x16xf32, #tpu.memory_space<vmem_shared>>
        tpu.wait_indirect_dma semaphore(%run_scoped3A_71 : memref<!tpu.dma_semaphore, #tpu.memory_space<semaphore_mem>>) src(%arg15 : memref<80x16xf32, #tpu.memory_space<vmem>>) dst(%dma_wait3A_83 : memref<10000x16xf32, #tpu.memory_space<vmem_shared>>)
        tpu.yield
      }) : () -> ()
    }
    %scan3A_25 = arith.constant 62 : i32
    %dma_wait3A = arith.constant 0 : i32
    %dma_wait3A_26 = arith.constant 0 : i32
    %dma_wait3A_27 = tpu.memref_slice %arg2[%dma_wait3A, %dma_wait3A_26] : memref<10000x16xf32, #tpu.memory_space<hbm>> -> memref<80x16xf32, #tpu.memory_space<hbm>>
    %dma_wait3A_28 = arith.constant 0 : i32
    %dma_wait3A_29 = arith.constant 0 : i32
    %dma_wait3A_30 = tpu.memref_slice %arg2[%dma_wait3A_28, %dma_wait3A_29] : memref<10000x16xf32, #tpu.memory_space<hbm>> -> memref<80x16xf32, #tpu.memory_space<hbm>>
    tpu.wait_dma2 semaphore(%arg13 : memref<!tpu.dma_semaphore, #tpu.memory_space<semaphore_mem>>) src(%dma_wait3A_30 : memref<80x16xf32, #tpu.memory_space<hbm>>) dst(%arg9 : memref<80x16xf32, #tpu.memory_space<vmem>>)
    %run_scoped3A = arith.constant 124 : i32
    "tpu.region"() ({
      %run_scoped3A_38 = tpu.sem_alloc : memref<!tpu.dma_semaphore, #tpu.memory_space<semaphore_mem>>
      %dma_start3A_39 = arith.constant 0 : i32
      %dma_start3A_40 = tpu.memref_slice %arg8[%run_scoped3A, %dma_start3A_39] : memref<125x80xi32, #tpu.memory_space<vmem>> -> memref<1x80xi32, #tpu.memory_space<vmem>>
      %dma_start3A_41 = tpu.memref_squeeze %dma_start3A_40 : memref<1x80xi32, #tpu.memory_space<vmem>> -> memref<80xi32, #tpu.memory_space<vmem>>
      %dma_start3A_42 = arith.constant 0 : i32
      %dma_start3A_43 = arith.constant 0 : i32
      %dma_start3A_44 = tpu.memref_slice %arg12[%dma_start3A_42, %dma_start3A_43] : memref<10000x16xf32, #tpu.memory_space<vmem_shared>> -> memref<10000x16xf32, #tpu.memory_space<vmem_shared>>
      tpu.enqueue_indirect_dma source(%arg9 : memref<80x16xf32, #tpu.memory_space<vmem>>) target(%dma_start3A_44 : memref<10000x16xf32, #tpu.memory_space<vmem_shared>>) offsets(%dma_start3A_41 : memref<80xi32, #tpu.memory_space<vmem>>) semaphore(%run_scoped3A_38 : memref<!tpu.dma_semaphore, #tpu.memory_space<semaphore_mem>>) {add = true}
      %dma_wait3A_45 = arith.constant 0 : i32
      %dma_wait3A_46 = tpu.memref_slice %arg8[%run_scoped3A, %dma_wait3A_45] : memref<125x80xi32, #tpu.memory_space<vmem>> -> memref<1x80xi32, #tpu.memory_space<vmem>>
      %dma_wait3A_47 = tpu.memref_squeeze %dma_wait3A_46 : memref<1x80xi32, #tpu.memory_space<vmem>> -> memref<80xi32, #tpu.memory_space<vmem>>
      %dma_wait3A_48 = arith.constant 0 : i32
      %dma_wait3A_49 = arith.constant 0 : i32
      %dma_wait3A_50 = tpu.memref_slice %arg12[%dma_wait3A_48, %dma_wait3A_49] : memref<10000x16xf32, #tpu.memory_space<vmem_shared>> -> memref<10000x16xf32, #tpu.memory_space<vmem_shared>>
      tpu.wait_indirect_dma semaphore(%run_scoped3A_38 : memref<!tpu.dma_semaphore, #tpu.memory_space<semaphore_mem>>) src(%arg9 : memref<80x16xf32, #tpu.memory_space<vmem>>) dst(%dma_wait3A_50 : memref<10000x16xf32, #tpu.memory_space<vmem_shared>>)
      tpu.yield
    }) : () -> ()
    %run_scoped3A_31 = arith.constant 124 : i32
    "tpu.region"() ({
      %run_scoped3A_38 = tpu.sem_alloc : memref<!tpu.dma_semaphore, #tpu.memory_space<semaphore_mem>>
      %dma_start3A_39 = arith.constant 0 : i32
      %dma_start3A_40 = tpu.memref_slice %arg8[%run_scoped3A_31, %dma_start3A_39] : memref<125x80xi32, #tpu.memory_space<vmem>> -> memref<1x80xi32, #tpu.memory_space<vmem>>
      %dma_start3A_41 = tpu.memref_squeeze %dma_start3A_40 : memref<1x80xi32, #tpu.memory_space<vmem>> -> memref<80xi32, #tpu.memory_space<vmem>>
      %dma_start3A_42 = arith.constant 0 : i32
      %dma_start3A_43 = arith.constant 0 : i32
      %dma_start3A_44 = tpu.memref_slice %arg16[%dma_start3A_42, %dma_start3A_43] : memref<10000x16xf32, #tpu.memory_space<vmem_shared>> -> memref<10000x16xf32, #tpu.memory_space<vmem_shared>>
      tpu.enqueue_indirect_dma source(%arg15 : memref<80x16xf32, #tpu.memory_space<vmem>>) target(%dma_start3A_44 : memref<10000x16xf32, #tpu.memory_space<vmem_shared>>) offsets(%dma_start3A_41 : memref<80xi32, #tpu.memory_space<vmem>>) semaphore(%run_scoped3A_38 : memref<!tpu.dma_semaphore, #tpu.memory_space<semaphore_mem>>) {add = true}
      %dma_wait3A_45 = arith.constant 0 : i32
      %dma_wait3A_46 = tpu.memref_slice %arg8[%run_scoped3A_31, %dma_wait3A_45] : memref<125x80xi32, #tpu.memory_space<vmem>> -> memref<1x80xi32, #tpu.memory_space<vmem>>
      %dma_wait3A_47 = tpu.memref_squeeze %dma_wait3A_46 : memref<1x80xi32, #tpu.memory_space<vmem>> -> memref<80xi32, #tpu.memory_space<vmem>>
      %dma_wait3A_48 = arith.constant 0 : i32
      %dma_wait3A_49 = arith.constant 0 : i32
      %dma_wait3A_50 = tpu.memref_slice %arg16[%dma_wait3A_48, %dma_wait3A_49] : memref<10000x16xf32, #tpu.memory_space<vmem_shared>> -> memref<10000x16xf32, #tpu.memory_space<vmem_shared>>
      tpu.wait_indirect_dma semaphore(%run_scoped3A_38 : memref<!tpu.dma_semaphore, #tpu.memory_space<semaphore_mem>>) src(%arg15 : memref<80x16xf32, #tpu.memory_space<vmem>>) dst(%dma_wait3A_50 : memref<10000x16xf32, #tpu.memory_space<vmem_shared>>)
      tpu.yield
    }) : () -> ()
    %barrier3A_32 = arith.constant 0 : index
    tpu.barrier barrier_id(%barrier3A_32)
    %lt3A_33 = arith.constant 10 : i32
    %lt3A_34 = arith.cmpi slt, %arg1, %lt3A_33 : i32
    %convert_element_type3A_35 = arith.extui %lt3A_34 : i1 to i32
    %cond3A_36 = arith.constant 0 : i32
    %cond3A_37 = arith.cmpi ne, %convert_element_type3A_35, %cond3A_36 : i32
    scf.if %cond3A_37 {
      %mul3A_38 = arith.constant 1000 : i32
      %mul3A_39 = arith.muli %arg1, %mul3A_38 : i32
      "tpu.region"() ({
        %run_scoped3A_40 = tpu.sem_alloc : memref<!tpu.dma_semaphore, #tpu.memory_space<semaphore_mem>>
        %dma_start3A_41 = arith.constant 0 : i32
        %dma_start3A_42 = tpu.memref_slice %arg5[%arg0, %mul3A_39, %dma_start3A_41] : memref<2x10000x16xf32, #tpu.memory_space<hbm>> -> memref<1x1000x16xf32, #tpu.memory_space<hbm>>
        %dma_start3A_43 = tpu.memref_squeeze %dma_start3A_42 : memref<1x1000x16xf32, #tpu.memory_space<hbm>> -> memref<1000x16xf32, #tpu.memory_space<hbm>>
        %dma_start3A_44 = arith.constant 0 : i32
        %dma_start3A_45 = tpu.memref_slice %arg12[%mul3A_39, %dma_start3A_44] : memref<10000x16xf32, #tpu.memory_space<vmem_shared>> -> memref<1000x16xf32, #tpu.memory_space<vmem_shared>>
        tpu.enqueue_dma source(%dma_start3A_45 : memref<1000x16xf32, #tpu.memory_space<vmem_shared>>) target(%dma_start3A_43 : memref<1000x16xf32, #tpu.memory_space<hbm>>) target_semaphore(%run_scoped3A_40 : memref<!tpu.dma_semaphore, #tpu.memory_space<semaphore_mem>>)
        %dma_wait3A_46 = arith.constant 0 : i32
        %dma_wait3A_47 = tpu.memref_slice %arg5[%arg0, %mul3A_39, %dma_wait3A_46] : memref<2x10000x16xf32, #tpu.memory_space<hbm>> -> memref<1x1000x16xf32, #tpu.memory_space<hbm>>
        %dma_wait3A_48 = tpu.memref_squeeze %dma_wait3A_47 : memref<1x1000x16xf32, #tpu.memory_space<hbm>> -> memref<1000x16xf32, #tpu.memory_space<hbm>>
        %dma_wait3A_49 = arith.constant 0 : i32
        %dma_wait3A_50 = tpu.memref_slice %arg12[%mul3A_39, %dma_wait3A_49] : memref<10000x16xf32, #tpu.memory_space<vmem_shared>> -> memref<1000x16xf32, #tpu.memory_space<vmem_shared>>
        tpu.wait_dma2 semaphore(%run_scoped3A_40 : memref<!tpu.dma_semaphore, #tpu.memory_space<semaphore_mem>>) src(%dma_wait3A_50 : memref<1000x16xf32, #tpu.memory_space<vmem_shared>>) dst(%dma_wait3A_48 : memref<1000x16xf32, #tpu.memory_space<hbm>>)
        tpu.yield
      }) : () -> ()
      "tpu.region"() ({
        %run_scoped3A_40 = tpu.sem_alloc : memref<!tpu.dma_semaphore, #tpu.memory_space<semaphore_mem>>
        %dma_start3A_41 = arith.constant 0 : i32
        %dma_start3A_42 = tpu.memref_slice %arg6[%arg0, %mul3A_39, %dma_start3A_41] : memref<2x10000x16xf32, #tpu.memory_space<hbm>> -> memref<1x1000x16xf32, #tpu.memory_space<hbm>>
        %dma_start3A_43 = tpu.memref_squeeze %dma_start3A_42 : memref<1x1000x16xf32, #tpu.memory_space<hbm>> -> memref<1000x16xf32, #tpu.memory_space<hbm>>
        %dma_start3A_44 = arith.constant 0 : i32
        %dma_start3A_45 = tpu.memref_slice %arg16[%mul3A_39, %dma_start3A_44] : memref<10000x16xf32, #tpu.memory_space<vmem_shared>> -> memref<1000x16xf32, #tpu.memory_space<vmem_shared>>
        tpu.enqueue_dma source(%dma_start3A_45 : memref<1000x16xf32, #tpu.memory_space<vmem_shared>>) target(%dma_start3A_43 : memref<1000x16xf32, #tpu.memory_space<hbm>>) target_semaphore(%run_scoped3A_40 : memref<!tpu.dma_semaphore, #tpu.memory_space<semaphore_mem>>)
        %dma_wait3A_46 = arith.constant 0 : i32
        %dma_wait3A_47 = tpu.memref_slice %arg6[%arg0, %mul3A_39, %dma_wait3A_46] : memref<2x10000x16xf32, #tpu.memory_space<hbm>> -> memref<1x1000x16xf32, #tpu.memory_space<hbm>>
        %dma_wait3A_48 = tpu.memref_squeeze %dma_wait3A_47 : memref<1x1000x16xf32, #tpu.memory_space<hbm>> -> memref<1000x16xf32, #tpu.memory_space<hbm>>
        %dma_wait3A_49 = arith.constant 0 : i32
        %dma_wait3A_50 = tpu.memref_slice %arg16[%mul3A_39, %dma_wait3A_49] : memref<10000x16xf32, #tpu.memory_space<vmem_shared>> -> memref<1000x16xf32, #tpu.memory_space<vmem_shared>>
        tpu.wait_dma2 semaphore(%run_scoped3A_40 : memref<!tpu.dma_semaphore, #tpu.memory_space<semaphore_mem>>) src(%dma_wait3A_50 : memref<1000x16xf32, #tpu.memory_space<vmem_shared>>) dst(%dma_wait3A_48 : memref<1000x16xf32, #tpu.memory_space<hbm>>)
        tpu.yield
      }) : () -> ()
    } else {
    }
    return
  }
}

module attributes {stable_mosaic.version = 14 : i64} {
  func.func @_tc_proj1(%arg0: memref<10000x128xf32, #tpu.memory_space<vmem>>, %arg1: memref<128x16xf32, #tpu.memory_space<vmem>>, %arg2: memref<128x16xf32, #tpu.memory_space<vmem>>, %arg3: memref<10000x16xf32, #tpu.memory_space<vmem>>, %arg4: memref<10000x16xf32, #tpu.memory_space<vmem>>) attributes {dimension_semantics = [], scalar_prefetch = 0 : i64, scratch_operands = 0 : i64, tpu.core_type = #tpu.core_type<tc>} {
    %get3A = arith.constant 0 : index
    %get3A_0 = arith.constant 0 : index
    %get3A_1 = vector.load %arg0[%get3A, %get3A_0] : memref<10000x128xf32, #tpu.memory_space<vmem>>, vector<10000x128xf32>
    %get3A_2 = arith.constant 0 : index
    %get3A_3 = arith.constant 0 : index
    %get3A_4 = vector.load %arg1[%get3A_2, %get3A_3] : memref<128x16xf32, #tpu.memory_space<vmem>>, vector<128x16xf32>
    %dot_general3A = arith.constant dense<0.000000e+00> : vector<10000x16xf32>
    %dot_general3A_5 = tpu.matmul %get3A_1, %get3A_4, %dot_general3A {dimension_numbers = #tpu.dot_dimension_numbers<[1], [0], [0], [1], [0, 0, 1, 1], [], []>, transpose_lhs_hint = false} : vector<10000x128xf32>, vector<128x16xf32>, vector<10000x16xf32> -> vector<10000x16xf32>
    %swap3A = arith.constant 0 : index
    %swap3A_6 = arith.constant 0 : index
    %swap3A_7 = vector.load %arg3[%swap3A, %swap3A_6] : memref<10000x16xf32, #tpu.memory_space<vmem>>, vector<10000x16xf32>
    tpu.vector_store %arg3[%swap3A, %swap3A_6], %dot_general3A_5 {strides = array<i32>} : memref<10000x16xf32, #tpu.memory_space<vmem>>, vector<10000x16xf32>,
    %get3A_8 = arith.constant 0 : index
    %get3A_9 = arith.constant 0 : index
    %get3A_10 = vector.load %arg2[%get3A_8, %get3A_9] : memref<128x16xf32, #tpu.memory_space<vmem>>, vector<128x16xf32>
    %dot_general3A_11 = arith.constant dense<0.000000e+00> : vector<10000x16xf32>
    %dot_general3A_12 = tpu.matmul %get3A_1, %get3A_10, %dot_general3A_11 {dimension_numbers = #tpu.dot_dimension_numbers<[1], [0], [0], [1], [0, 0, 1, 1], [], []>, transpose_lhs_hint = false} : vector<10000x128xf32>, vector<128x16xf32>, vector<10000x16xf32> -> vector<10000x16xf32>
    %swap3A_13 = arith.constant 0 : index
    %swap3A_14 = arith.constant 0 : index
    %swap3A_15 = vector.load %arg4[%swap3A_13, %swap3A_14] : memref<10000x16xf32, #tpu.memory_space<vmem>>, vector<10000x16xf32>
    tpu.vector_store %arg4[%swap3A_13, %swap3A_14], %dot_general3A_12 {strides = array<i32>} : memref<10000x16xf32, #tpu.memory_space<vmem>>, vector<10000x16xf32>,
    return
  }
}

module attributes {stable_mosaic.version = 14 : i64} {
  func.func @_tc_combine1(%arg0: memref<2x10000x16xf32, #tpu.memory_space<vmem>>, %arg1: memref<2x10000x16xf32, #tpu.memory_space<vmem>>, %arg2: memref<10000x16xf32, #tpu.memory_space<vmem>>, %arg3: memref<1x16xf32, #tpu.memory_space<vmem>>, %arg4: memref<16x16xf32, #tpu.memory_space<vmem>>, %arg5: memref<16x16xf32, #tpu.memory_space<vmem>>, %arg6: memref<10000x16xf32, #tpu.memory_space<vmem>>, %arg7: memref<10000x16xf32, #tpu.memory_space<vmem>>, %arg8: memref<10000x16xf32, #tpu.memory_space<vmem>>) attributes {dimension_semantics = [], scalar_prefetch = 0 : i64, scratch_operands = 0 : i64, tpu.core_type = #tpu.core_type<tc>} {
    %get3A = arith.constant 0 : index
    %get3A_0 = arith.constant 0 : index
    %get3A_1 = arith.constant 0 : index
    %get3A_2 = vector.load %arg1[%get3A, %get3A_0, %get3A_1] : memref<2x10000x16xf32, #tpu.memory_space<vmem>>, vector<1x10000x16xf32>
    %get3A_3 = vector.shape_cast %get3A_2 : vector<1x10000x16xf32> to vector<10000x16xf32>
    %get3A_4 = arith.constant 1 : index
    %get3A_5 = arith.constant 0 : index
    %get3A_6 = arith.constant 0 : index
    %get3A_7 = vector.load %arg1[%get3A_4, %get3A_5, %get3A_6] : memref<2x10000x16xf32, #tpu.memory_space<vmem>>, vector<1x10000x16xf32>
    %get3A_8 = vector.shape_cast %get3A_7 : vector<1x10000x16xf32> to vector<10000x16xf32>
    %add3A = arith.addf %get3A_3, %get3A_8 : vector<10000x16xf32>
    %max3A = arith.constant 1.000000e+00 : f32
    %max3A_9 = vector.broadcast %max3A : f32 to vector<10000x16xf32>
    %max3A_10 = arith.maximumf %add3A, %max3A_9 : vector<10000x16xf32>
    %div3A = arith.constant 1.000000e+00 : f32
    %div3A_11 = vector.broadcast %div3A : f32 to vector<10000x16xf32>
    %div3A_12 = arith.divf %div3A_11, %max3A_10 : vector<10000x16xf32>
    %get3A_13 = arith.constant 0 : index
    %get3A_14 = arith.constant 0 : index
    %get3A_15 = arith.constant 0 : index
    %get3A_16 = vector.load %arg0[%get3A_13, %get3A_14, %get3A_15] : memref<2x10000x16xf32, #tpu.memory_space<vmem>>, vector<1x10000x16xf32>
    %get3A_17 = vector.shape_cast %get3A_16 : vector<1x10000x16xf32> to vector<10000x16xf32>
    %get3A_18 = arith.constant 1 : index
    %get3A_19 = arith.constant 0 : index
    %get3A_20 = arith.constant 0 : index
    %get3A_21 = vector.load %arg0[%get3A_18, %get3A_19, %get3A_20] : memref<2x10000x16xf32, #tpu.memory_space<vmem>>, vector<1x10000x16xf32>
    %get3A_22 = vector.shape_cast %get3A_21 : vector<1x10000x16xf32> to vector<10000x16xf32>
    %add3A_23 = arith.addf %get3A_17, %get3A_22 : vector<10000x16xf32>
    %mul3A = arith.mulf %add3A_23, %div3A_12 : vector<10000x16xf32>
    %get3A_24 = arith.constant 0 : index
    %get3A_25 = arith.constant 0 : index
    %get3A_26 = vector.load %arg3[%get3A_24, %get3A_25] : memref<1x16xf32, #tpu.memory_space<vmem>>, vector<1x16xf32>
    %add3A_27 = vector.broadcast %get3A_26 : vector<1x16xf32> to vector<10000x16xf32>
    %add3A_28 = arith.addf %mul3A, %add3A_27 : vector<10000x16xf32>
    %get3A_29 = arith.constant 0 : index
    %get3A_30 = arith.constant 0 : index
    %get3A_31 = vector.load %arg2[%get3A_29, %get3A_30] : memref<10000x16xf32, #tpu.memory_space<vmem>>, vector<10000x16xf32>
    %add3A_32 = arith.addf %add3A_28, %get3A_31 : vector<10000x16xf32>
    %logistic3A = arith.negf %add3A_32 : vector<10000x16xf32>
    %logistic3A_33 = math.exp %logistic3A : vector<10000x16xf32>
    %logistic3A_34 = arith.constant 1.000000e+00 : f32
    %logistic3A_35 = vector.broadcast %logistic3A_34 : f32 to vector<10000x16xf32>
    %logistic3A_36 = arith.addf %logistic3A_35, %logistic3A_33 : vector<10000x16xf32>
    %logistic3A_37 = arith.divf %logistic3A_35, %logistic3A_36 : vector<10000x16xf32>
    %get3A_38 = arith.constant 0 : index
    %get3A_39 = arith.constant 0 : index
    %get3A_40 = vector.load %arg4[%get3A_38, %get3A_39] : memref<16x16xf32, #tpu.memory_space<vmem>>, vector<16x16xf32>
    %dot_general3A = arith.constant dense<0.000000e+00> : vector<10000x16xf32>
    %dot_general3A_41 = tpu.matmul %logistic3A_37, %get3A_40, %dot_general3A {dimension_numbers = #tpu.dot_dimension_numbers<[1], [0], [0], [1], [0, 0, 1, 1], [], []>, transpose_lhs_hint = false} : vector<10000x16xf32>, vector<16x16xf32>, vector<10000x16xf32> -> vector<10000x16xf32>
    %swap3A = arith.constant 0 : index
    %swap3A_42 = arith.constant 0 : index
    %swap3A_43 = vector.load %arg6[%swap3A, %swap3A_42] : memref<10000x16xf32, #tpu.memory_space<vmem>>, vector<10000x16xf32>
    tpu.vector_store %arg6[%swap3A, %swap3A_42], %dot_general3A_41 {strides = array<i32>} : memref<10000x16xf32, #tpu.memory_space<vmem>>, vector<10000x16xf32>,
    %get3A_44 = arith.constant 0 : index
    %get3A_45 = arith.constant 0 : index
    %get3A_46 = vector.load %arg5[%get3A_44, %get3A_45] : memref<16x16xf32, #tpu.memory_space<vmem>>, vector<16x16xf32>
    %dot_general3A_47 = arith.constant dense<0.000000e+00> : vector<10000x16xf32>
    %dot_general3A_48 = tpu.matmul %logistic3A_37, %get3A_46, %dot_general3A_47 {dimension_numbers = #tpu.dot_dimension_numbers<[1], [0], [0], [1], [0, 0, 1, 1], [], []>, transpose_lhs_hint = false} : vector<10000x16xf32>, vector<16x16xf32>, vector<10000x16xf32> -> vector<10000x16xf32>
    %swap3A_49 = arith.constant 0 : index
    %swap3A_50 = arith.constant 0 : index
    %swap3A_51 = vector.load %arg7[%swap3A_49, %swap3A_50] : memref<10000x16xf32, #tpu.memory_space<vmem>>, vector<10000x16xf32>
    tpu.vector_store %arg7[%swap3A_49, %swap3A_50], %dot_general3A_48 {strides = array<i32>} : memref<10000x16xf32, #tpu.memory_space<vmem>>, vector<10000x16xf32>,
    %swap3A_52 = arith.constant 0 : index
    %swap3A_53 = arith.constant 0 : index
    %swap3A_54 = vector.load %arg8[%swap3A_52, %swap3A_53] : memref<10000x16xf32, #tpu.memory_space<vmem>>, vector<10000x16xf32>
    tpu.vector_store %arg8[%swap3A_52, %swap3A_53], %div3A_12 {strides = array<i32>} : memref<10000x16xf32, #tpu.memory_space<vmem>>, vector<10000x16xf32>,
    return
  }
}

module attributes {stable_mosaic.version = 14 : i64} {
  func.func @_tc_combine2(%arg0: memref<2x10000x16xf32, #tpu.memory_space<vmem>>, %arg1: memref<10000x16xf32, #tpu.memory_space<vmem>>, %arg2: memref<10000x16xf32, #tpu.memory_space<vmem>>, %arg3: memref<1x16xf32, #tpu.memory_space<vmem>>, %arg4: memref<16x16xf32, #tpu.memory_space<vmem>>, %arg5: memref<1x16xf32, #tpu.memory_space<vmem>>, %arg6: memref<16x16xf32, #tpu.memory_space<vmem>>, %arg7: memref<1x16xf32, #tpu.memory_space<vmem>>, %arg8: memref<10000x16xf32, #tpu.memory_space<vmem>>) attributes {dimension_semantics = [], scalar_prefetch = 0 : i64, scratch_operands = 0 : i64, tpu.core_type = #tpu.core_type<tc>} {
    %get3A = arith.constant 0 : index
    %get3A_0 = arith.constant 0 : index
    %get3A_1 = arith.constant 0 : index
    %get3A_2 = vector.load %arg0[%get3A, %get3A_0, %get3A_1] : memref<2x10000x16xf32, #tpu.memory_space<vmem>>, vector<1x10000x16xf32>
    %get3A_3 = vector.shape_cast %get3A_2 : vector<1x10000x16xf32> to vector<10000x16xf32>
    %get3A_4 = arith.constant 1 : index
    %get3A_5 = arith.constant 0 : index
    %get3A_6 = arith.constant 0 : index
    %get3A_7 = vector.load %arg0[%get3A_4, %get3A_5, %get3A_6] : memref<2x10000x16xf32, #tpu.memory_space<vmem>>, vector<1x10000x16xf32>
    %get3A_8 = vector.shape_cast %get3A_7 : vector<1x10000x16xf32> to vector<10000x16xf32>
    %add3A = arith.addf %get3A_3, %get3A_8 : vector<10000x16xf32>
    %get3A_9 = arith.constant 0 : index
    %get3A_10 = arith.constant 0 : index
    %get3A_11 = vector.load %arg1[%get3A_9, %get3A_10] : memref<10000x16xf32, #tpu.memory_space<vmem>>, vector<10000x16xf32>
    %mul3A = arith.mulf %add3A, %get3A_11 : vector<10000x16xf32>
    %get3A_12 = arith.constant 0 : index
    %get3A_13 = arith.constant 0 : index
    %get3A_14 = vector.load %arg3[%get3A_12, %get3A_13] : memref<1x16xf32, #tpu.memory_space<vmem>>, vector<1x16xf32>
    %add3A_15 = vector.broadcast %get3A_14 : vector<1x16xf32> to vector<10000x16xf32>
    %add3A_16 = arith.addf %mul3A, %add3A_15 : vector<10000x16xf32>
    %get3A_17 = arith.constant 0 : index
    %get3A_18 = arith.constant 0 : index
    %get3A_19 = vector.load %arg2[%get3A_17, %get3A_18] : memref<10000x16xf32, #tpu.memory_space<vmem>>, vector<10000x16xf32>
    %add3A_20 = arith.addf %add3A_16, %get3A_19 : vector<10000x16xf32>
    %logistic3A = arith.negf %add3A_20 : vector<10000x16xf32>
    %logistic3A_21 = math.exp %logistic3A : vector<10000x16xf32>
    %logistic3A_22 = arith.constant 1.000000e+00 : f32
    %logistic3A_23 = vector.broadcast %logistic3A_22 : f32 to vector<10000x16xf32>
    %logistic3A_24 = arith.addf %logistic3A_23, %logistic3A_21 : vector<10000x16xf32>
    %logistic3A_25 = arith.divf %logistic3A_23, %logistic3A_24 : vector<10000x16xf32>
    %get3A_26 = arith.constant 0 : index
    %get3A_27 = arith.constant 0 : index
    %get3A_28 = vector.load %arg4[%get3A_26, %get3A_27] : memref<16x16xf32, #tpu.memory_space<vmem>>, vector<16x16xf32>
    %dot_general3A = arith.constant dense<0.000000e+00> : vector<10000x16xf32>
    %dot_general3A_29 = tpu.matmul %logistic3A_25, %get3A_28, %dot_general3A {dimension_numbers = #tpu.dot_dimension_numbers<[1], [0], [0], [1], [0, 0, 1, 1], [], []>, transpose_lhs_hint = false} : vector<10000x16xf32>, vector<16x16xf32>, vector<10000x16xf32> -> vector<10000x16xf32>
    %get3A_30 = arith.constant 0 : index
    %get3A_31 = arith.constant 0 : index
    %get3A_32 = vector.load %arg5[%get3A_30, %get3A_31] : memref<1x16xf32, #tpu.memory_space<vmem>>, vector<1x16xf32>
    %add3A_33 = vector.broadcast %get3A_32 : vector<1x16xf32> to vector<10000x16xf32>
    %add3A_34 = arith.addf %dot_general3A_29, %add3A_33 : vector<10000x16xf32>
    %logistic3A_35 = arith.negf %add3A_34 : vector<10000x16xf32>
    %logistic3A_36 = math.exp %logistic3A_35 : vector<10000x16xf32>
    %logistic3A_37 = arith.constant 1.000000e+00 : f32
    %logistic3A_38 = vector.broadcast %logistic3A_37 : f32 to vector<10000x16xf32>
    %logistic3A_39 = arith.addf %logistic3A_38, %logistic3A_36 : vector<10000x16xf32>
    %logistic3A_40 = arith.divf %logistic3A_38, %logistic3A_39 : vector<10000x16xf32>
    %get3A_41 = arith.constant 0 : index
    %get3A_42 = arith.constant 0 : index
    %get3A_43 = vector.load %arg6[%get3A_41, %get3A_42] : memref<16x16xf32, #tpu.memory_space<vmem>>, vector<16x16xf32>
    %dot_general3A_44 = arith.constant dense<0.000000e+00> : vector<10000x16xf32>
    %dot_general3A_45 = tpu.matmul %logistic3A_40, %get3A_43, %dot_general3A_44 {dimension_numbers = #tpu.dot_dimension_numbers<[1], [0], [0], [1], [0, 0, 1, 1], [], []>, transpose_lhs_hint = false} : vector<10000x16xf32>, vector<16x16xf32>, vector<10000x16xf32> -> vector<10000x16xf32>
    %get3A_46 = arith.constant 0 : index
    %get3A_47 = arith.constant 0 : index
    %get3A_48 = vector.load %arg7[%get3A_46, %get3A_47] : memref<1x16xf32, #tpu.memory_space<vmem>>, vector<1x16xf32>
    %add3A_49 = vector.broadcast %get3A_48 : vector<1x16xf32> to vector<10000x16xf32>
    %add3A_50 = arith.addf %dot_general3A_45, %add3A_49 : vector<10000x16xf32>
    %swap3A = arith.constant 0 : index
    %swap3A_51 = arith.constant 0 : index
    %swap3A_52 = vector.load %arg8[%swap3A, %swap3A_51] : memref<10000x16xf32, #tpu.memory_space<vmem>>, vector<10000x16xf32>
    tpu.vector_store %arg8[%swap3A, %swap3A_51], %add3A_50 {strides = array<i32>} : memref<10000x16xf32, #tpu.memory_space<vmem>>, vector<10000x16xf32>,
    return
  }
}

</mosaic_0001>

<sc_bundles>
// kernel: kernel.10.cloned.1.call-start
scs
__scs_entry_jumppad:
0x0: {  	(pc) =	sbr.rel $0x88, $3  }
0x1: {  	(tag) =	ssettag $0x0;
	lr =	simm.s32 $0x1  }
0x2: {  	[smem:$0x3F95] =	sst lr;
	_ =	strace $0xD0000000  }
0x3: {  	_ = 	snop  }
0x4: {  	_ = 	snop  }
0x5: {  	_ = 	snop  }
0x6: {  	_ = 	snop  }
0x7: {  	_ = 	snop  }
__scs_overlays_trampoline_lowered:
0x8: {  	[smem:$0x3FA4] =	sst s0  }
0x9: {  	[smem:$0x3FA5] =	sst s1  }
0xa: {  	[smem:$0x3FA6] =	sst s2  }
0xb: {  	[smem:$0x3FA7] =	sst s3  }
0xc: {  	[smem:$0x3FA8] =	sst s4  }
0xd: {  	[smem:$0x3FA9] =	sst s5  }
0xe: {  	[smem:$0x3FAA] =	sst s6  }
0xf: {  	[smem:$0x3FAB] =	sst s7  }
0x10: {  	[smem:$0x3FAC] =	sst s8  }
0x11: {  	[smem:$0x3FAD] =	sst s9;
	s0 =	simm.s32 @!p0 $0x0  }
0x12: {  	s1 =	sld [smem:$0x3F93];
	s0 =	simm.s32 @p0 $0x1  }
0x13: {  	[smem:$0x3FAE] =	sst s0;
	s0 =	simm.s32 @!p1 $0x0  }
0x14: {  	s2 =	sld [smem:$0x3F92];
	s0 =	simm.s32 @p1 $0x1  }
0x15: {  	[smem:$0x3FAF] =	sst s0;
	s0 =	simm.s32 @!p2 $0x0  }
0x16: {  	s3 =	sld [smem:$0x3FDB];
	s0 =	simm.s32 @p2 $0x1  }
0x17: {  	s4 =	simm.s32 $0x1BF5;
	[smem:$0x3FB1] =	sst s0  }
0x18: {  	s0 =	sld [smem:$0x3F94];
	_ =	swait.ge [sflag:s4], $0x0  }
0x19: {  	s7 =	sld [smem:$0x3F95]  }
0x1a: {  	s8 =	sadd.s32 $0xFFFFE003, lr  }
0x1b: {  	s9 =	sadd.s32 $0xFFFFFEF7, lr;
	s5 =	simm.s32 $0xFFFFFFFF;
	p2 =	slt.u32 s8, $0xFFFFF086  }
0x1c: {  	p1 =	slt.u32 s9, $0xF7A;
	s5 =	simm.s32 @!p2 $0x0  }
0x1d: {  	s5 =	simm.s32 @p1 $0x1;
	p0 =	seq.s32 s7, s2  }
0x1e: {  	s7 =	smul.u32 @!p0 $0xF7A, s2;
	p2 =	seq.s32 @!p0 s5, $0x0  }
0x1f: {  	s9 =	smul.u32 $0xF7A, s1;
	s8 =	simm.s32 @!p0 $0x1BF5;
	p2 =	por !p2, p0  }
0x20: {  	[sflag:s8] =	ssyncset.s32 @!p0 $0xFFFFF086;
	s6 =	sadd.s32 @!p0 s3, s7;
	s7 =	simm.s32 @!p0 $0x108  }
0x21: {  	s3 =	sadd.s32 s3, s9;
	s6 =	sadd.s32 @!p0 $0x88, s6;
	s7 =	simm.s32 @p2 $0x1082  }
0x22: {  	[simem:s7], [sflag:s8] =	dma.local @!p0 [hbm:s6], $0xF7A  }
0x23: {  	s9 =	sor.u32 $0xD0000000, s2;
	s6 =	simm.s32 $0x108;
	_ =	swait.ge @!p0 [sflag:s8], $0x0  }
0x24: {  	s3 =	sadd.s32 $0x88, s3;
	s6 =	simm.s32 @!p1 $0x1082;
	[sflag:s4] =	ssyncset.s32 $0xFFFFF086  }
0x25: {  	[simem:s6], [sflag:s4] =	dma.local [hbm:s3], $0xF7A  }
0x26: {  	[smem:$0x3F95] =	sst s1;
	(tag) =	ssettag s2;
	_ =	strace s9  }
0x27: {  	s1 =	sld [smem:$0x3FA5]  }
0x28: {  	s2 =	sld [smem:$0x3FA6]  }
0x29: {  	s4 =	sld [smem:$0x3FA8]  }
0x2a: {  	p0 =	seq.s32 s5, $0x0;
	s5 =	sld [smem:$0x3FA9]  }
0x2b: {  	s6 =	sld [smem:$0x3FAA]  }
0x2c: {  	s7 =	sld [smem:$0x3FAB]  }
0x2d: {  	s3 =	simm.s32 $0x108;
	s8 =	sld [smem:$0x3FAC]  }
0x2e: {  	s3 =	simm.s32 @!p0 $0x1082;
	s9 =	sld [smem:$0x3FAD]  }
0x2f: {  	lr =	sadd.s32 s0, s3;
	s0 =	sld [smem:$0x3FA4]  }
0x30: {  	s3 =	sld [smem:$0x3FA7]  }
0x31: {  	[smem:$0x3FB0] =	sst s10  }
0x32: {  	s10 =	sld [smem:$0x3FAE];
	_ =	sdelay $0x3  }
0x33: {  	p0 =	seq.s32 s10, $0x1;
	s10 =	sld [smem:$0x3FB0];
	_ =	sdelay $0x3  }
0x34: {  	[smem:$0x3FB0] =	sst s10  }
0x35: {  	s10 =	sld [smem:$0x3FAF];
	_ =	sdelay $0x3  }
0x36: {  	p1 =	seq.s32 s10, $0x1;
	s10 =	sld [smem:$0x3FB0];
	_ =	sdelay $0x3  }
0x37: {  	[smem:$0x3FB0] =	sst s10  }
0x38: {  	s10 =	sld [smem:$0x3FB1]  }
0x39: {  	_ = 	snop;
	(pc) =	sbr.ind lr, $3  }
0x3a: {  	_ = 	snop  }
0x3b: {  	_ = 	snop  }
0x3c: {  	p2 =	seq.s32 s10, $0x1;
	s10 =	sld [smem:$0x3FB0]  }
0x3d: {  	_ =	shalt  }
0x3e: {  	_ =	shalt  }
0x3f: {  	_ =	shalt  }
0x40: {  	_ =	shalt  }
0x41: {  	_ =	shalt  }
0x42: {  	_ =	shalt  }
0x43: {  	_ =	shalt  }
0x44: {  	_ =	shalt  }
0x45: {  	_ =	shalt  }
0x46: {  	_ =	shalt  }
0x47: {  	_ =	shalt  }
0x48: {  	_ =	shalt  }
0x49: {  	_ =	shalt  }
0x4a: {  	_ =	shalt  }
0x4b: {  	_ =	shalt  }
0x4c: {  	_ =	shalt  }
0x4d: {  	_ =	shalt  }
0x4e: {  	_ =	shalt  }
0x4f: {  	_ =	shalt  }
0x50: {  	_ =	shalt  }
0x51: {  	_ =	shalt  }
0x52: {  	_ =	shalt  }
0x53: {  	_ =	shalt  }
0x54: {  	_ =	shalt  }
0x55: {  	_ =	shalt  }
0x56: {  	_ =	shalt  }
0x57: {  	_ =	shalt  }
0x58: {  	_ =	shalt  }
0x59: {  	_ =	shalt  }
0x5a: {  	_ =	shalt  }
0x5b: {  	_ =	shalt  }
0x5c: {  	_ =	shalt  }
0x5d: {  	_ =	shalt  }
0x5e: {  	_ =	shalt  }
0x5f: {  	_ =	shalt  }
0x60: {  	_ =	shalt  }
0x61: {  	_ =	shalt  }
0x62: {  	_ =	shalt  }
0x63: {  	_ =	shalt  }
0x64: {  	_ =	shalt  }
0x65: {  	_ =	shalt  }
0x66: {  	_ =	shalt  }
0x67: {  	_ =	shalt  }
0x68: {  	_ =	shalt  }
0x69: {  	_ =	shalt  }
0x6a: {  	_ =	shalt  }
0x6b: {  	_ =	shalt  }
0x6c: {  	_ =	shalt  }
0x6d: {  	_ =	shalt  }
0x6e: {  	_ =	shalt  }
0x6f: {  	_ =	shalt  }
0x70: {  	_ =	shalt  }
0x71: {  	_ =	shalt  }
0x72: {  	_ =	shalt  }
0x73: {  	_ =	shalt  }
0x74: {  	_ =	shalt  }
0x75: {  	_ =	shalt  }
0x76: {  	_ =	shalt  }
0x77: {  	_ =	shalt  }
0x78: {  	_ =	shalt  }
0x79: {  	_ =	shalt  }
0x7a: {  	_ =	shalt  }
0x7b: {  	_ =	shalt  }
0x7c: {  	_ =	shalt  }
0x7d: {  	_ =	shalt  }
0x7e: {  	_ =	shalt  }
0x7f: {  	_ =	shalt  }
0x80: {  	_ =	shalt  }
0x81: {  	_ =	shalt  }
0x82: {  	_ =	shalt  }
0x83: {  	_ =	shalt  }
0x84: {  	_ =	shalt  }
0x85: {  	_ =	shalt  }
0x86: {  	_ =	shalt  }
0x87: {  	_ =	shalt  }
.Lfunc_end0:
.L_simem_size_0:
called_computation.1_lowered:
.L_overlay_start_0:
0x88: {  	s2 =	sld [smem:$0x3FD9]  }
0x89: {  	s3 =	sld [smem:$0x3FFE];
	_ =	sdelay $0x1  }
0x8a: {  	s1 =	srdreg.scid  }
0x8b: {  	s0 =	sand.u32 $0x1, s1  }
0x8c: {  	s17 =	sshll.u32 s0, $0xA;
	s2 =	sadd.s32 s3, s2  }
0x8d: {  	s2 =	sadd.s32 s2, s17  }
0x8e: {  	[smem:$0x3FBC] =	sst s2  }
0x8f: {  	_ = 	snop  }
0x90: {  	s2 =	sld [smem:$0x3FD0];
	(tm) =	ssettm $0x1  }
0x91: {  	s18 =	sld [smem:$0x3FFB];
	_ =	sdelay $0x3  }
0x92: {  	_ =	strace s18  }
0x93: {  	s3 =	sld [smem:$0x3FFC];
	_ =	sdelay $0x3  }
0x94: {  	_ =	strace s3  }
0x95: {  	s3 =	sld [smem:$0x3FFD];
	_ =	sdelay $0x3  }
0x96: {  	_ =	strace s3  }
0x97: {  	_ =	strace $0x8FFFFFFF  }
0x98: {  	s19 =	sld [smem:$0x3FDB];
	_ =	sdelay $0x1  }
0x99: {  	s4 =	simm.s32 $_scs_section_size  }
0x9a: {  	s5 =	simm.s32 $_size__tile_overlayer_lowered;
	s6 =	simm.s32 $_tile_overlayer_lowered  }
0x9b: {  	s22 =	simm.s32 $0x1BFF;
	s21 =	sshll.u32 s6, $0x1;
	s3 =	sadd.s32 s4, s19  }
0x9c: {  	s7 =	simm.s32 $0x0;
	s20 =	sshll.u32 s5, $0x1;
	s5 =	sadd.s32 s21, s3  }
0x9d: {  	[timem:s7], [sflag:s22] =	dma.local [hbm:s5], s20  }
0x9e: {  	_ =	swait.ge [sflag:s22], s20  }
0x9f: {  	s4 =	ssub.s32 $0x0, s20;
	[sflag:s22] =	ssyncset.done $0x0  }
0xa0: {  	[sflag:s22] =	ssyncadd.s32 s4;
	_ =	sdelay $0x1  }
0xa1: {  	s23 =	simm.s32 $0x1B8B  }
0xa2: {  	_ =	swait.ge [sflag:s23], $0x1  }
0xa3: {  	[sflag:s23] =	ssyncset.done $0x0  }
0xa4: {  	s25 =	simm.s32 $0x1B8E;
	s24 =	sld [smem:$0x3FFE];
	[sflag:s23] =	ssyncadd.s32 $0xFFFFFFFF  }
0xa5: {  	s26 =	simm.s32 $execute0_lowered;
	[smem:$0x3FD2] =	sst s25  }
0xa6: {  	s5 =	sshll.u32 s26, $0x1;
	_ =	strace $0x80000049;
	[dreg:$0x1] =	wrdreg $0xFFFFFFFF  }
0xa7: {  	s28 =	simm.s32 $_size_execute0_lowered;
	s3 =	sadd.s32 s3, s5;
	[dreg:$0x0] =	wrdreg $0x0  }
0xa8: {  	s5 =	sshll.u32 s28, $0x1;
	[dreg:$0x2] =	wrdreg s3  }
0xa9: {  	[dreg:$0x3] =	wrdreg s5  }
0xaa: {  	[dreg:$0x4] =	wrdreg $0xC0  }
0xab: {  	_ =	task [dreg:s7], $0x5FFFF  }
0xac: {  	[dreg:$0x1] =	wrdreg $0xFFFFFFFF  }
0xad: {  	[dreg:$0x0] =	wrdreg $0x60  }
0xae: {  	[dreg:$0x2] =	wrdreg s2  }
0xaf: {  	[dreg:$0x3] =	wrdreg s24  }
0xb0: {  	[dreg:$0x4] =	wrdreg $0x96A00  }
0xb1: {  	[dreg:$0x5] =	wrdreg $0x9  }
0xb2: {  	_ =	task.clear_ibuf [dreg:s7], $0x6FFFF;
	_ =	strace $0x90000049  }
0xb3: {  	s29 =	simm.s32 $0x9;
	_ =	strace $0x8000004B  }
0xb4: {  	_ =	swait.ge [sflag:s29], $0x1  }
0xb5: {  	[sflag:s29] =	ssyncadd.s32 $0xFFFFFFFF  }
0xb6: {  	_ =	strace $0x9000004B  }
0xb7: {  	_ =	sfence  }
0xb8: {  	s30 =	sld [smem:$0x0];
	_ =	sdelay $0x2  }
0xb9: {  	s31 =	sshll.u32 s1, $0xD;
	s1 =	sshrl.u32 s1, $0x2  }
0xba: {  	s3 =	sand.u32 $0x4000, s31;
	s1 =	sadd.s32 s1, s30  }
0xbb: {  	s0 =	sor.u32 s3, s0;
	s1 =	sshll.u32 s1, $0x11  }
0xbc: {  	s0 =	sor.u32 s1, s0  }
0xbd: {  	s0 =	sadd.s32 $0x8F2B, s0  }
0xbe: {  	[sflag:s0] =	ssyncadd.remote.s32 $0x1  }
0xbf: {  	_ =	sfence.sel $0xFFFF  }
0xc0: {  	[dreg:$0x0] =	wrdreg $0xFFFFFFFF;
	(pc) =	sbr.abs _section_cstart, $3  }
0xc1: {  	[dreg:$0x1] =	wrdreg $0xFFFFFFFF  }
0xc2: {  	_ =	task.clear_ibuf [dreg:s7], $0x2FFFF;
	_ =	strace $0x9FFFFFFF  }
0xc3: {  	(tm) =	ssettm $0x7FFFFFFF  }
tec
execute0_lowered:
.L_overlay_start_1:
0x0: {  	(tag) =	ssettag $0x1  }
0x1: {  	s1 =	rddreg [dreg:$0x0]  }
0x2: {  	s5 =	rddreg [dreg:$0x1]  }
0x3: {  	s3 =	rddreg [dreg:$0x2];
	s2 =	srdreg.scid  }
0x4: {  	s0 =	rddreg [dreg:$0x3];
	s4 =	simm.s32 $0x0;
	s13 =	simm.s32 $0x4E20  }
0x5: {  	s14 =	simm.s32 $0x5320;
	s15 =	simm.s32 $0x1;
	s16 =	simm.s32 $0x2  }
0x6: {  	s17 =	simm.s32 $0x4DD0;
	s6 =	sand.u32 $0x1, s2;
	s2 =	stileid.u32  }
0x7: {  	s20 =	simm.s32 $0x0;
	[smem:$0x7FF] =	sst s4;
	s7 =	smul.u32 $0x27100, s6  }
0x8: {  	s8 =	sshll.u32 s6, $0x4;
	s9 =	smul.u32 $0x3E80, s2;
	_ =	strace $0x8000004A  }
0x9: {  	s6 =	ssub.s32 $0x2, s6;
	s10 =	smul.u32 $0xFA00, s2;
	p0 =	sgt.u32 s2, $0x9  }
0xa: {  	s8 =	sor.u32 s2, s8;
	s30 =	sshrl.u32 s6, $0x1;
	s18 =	sshll.u32 @!p0 s2, $0x6  }
0xb: {  	s8 =	smul.u32 $0x4E2, s8;
	s7 =	sadd.s32 s9, s7;
	s12 =	ssub.s32 s6, s30  }
0xc: {  	s31 =	sshrl.u32 s10, $0x2;
	s19 =	sadd.s32 s9, s3;
	s10 =	simm.s32 $0x3  }
0xd: {  	s18 =	sor.u32 @!p0 $0x1C03, s18;
	s7 =	sshrl.u32 s7, $0x3;
	s9 =	smax.u32 s12, $0x1  }
0xe: {  	s12 =	simm.s32 $0x50;
	s19 =	sshrl.u32 @!p0 s19, $0x3;
	s8 =	sadd.s32 s8, s5  }
0xf: {  	s11 =	sadd.s32 s7, s5;
	s7 =	sadd.s32 s31, s3;
	s5 =	sadd.s32 $0xBC00, s8  }
0x10: {  	v0 =	vimm.f32 $0.0e+00;
	s6 =	sadd.s32 $0x1E00, s8;
	s8 =	sadd.s32 $0x15A00, s11;
	s11 =	simm.s32 $0x2710  }
.LBB2_1:
0x11: {  	[tilespmem:s4], [sflag:$0x3] =	stream.linear.gather [hbm4b:s5+s4], $0x2710, $0x38;
	[tilespmem:$0xBDB0] =	vst v63  }
0x12: {  	_ =	swait.ge [sflag:s10], $0x2710  }
0x13: {  	[sflag:s10] =	ssyncset.done $0x0  }
0x14: {  	[sflag:s10] =	ssyncadd.s32 $0xFFFFD8F0  }
0x15: {  	[tilespmem:s11], [sflag:$0x3] =	stream.linear.gather [hbm4b:s6+s4], $0x2710, $0x38;
	[tilespmem:$0xBDB0] =	vst v63  }
0x16: {  	_ =	swait.ge [sflag:s10], $0x2710  }
0x17: {  	[sflag:s10] =	ssyncset.done $0x0  }
0x18: {  	s21 =	simm.s32 $0x40;
	s22 =	simm.s32 $0x0;
	[sflag:s10] =	ssyncadd.s32 $0xFFFFD8F0  }
.LBB2_2:
0x19: {  	p1 =	sne.s32 s21, $0xF9C0;
	[tilespmem:s22+$0x5820] =	vst v0;
	s22 =	smov.u32 s21;
	s21 =	sadd.s32 $0x40, s21  }
.Ltmp0:
0x1a: {  	(pc) =	sbr.rel @p1 .LBB2_2-.Ltmp0, $2  }
0x1b: {  	_ =	sdelay $0x2  }
0x1c: {  	s22 =	sshra.s32 s22, $0x2  }
0x1d: {  	[tilespmem:s22+$0x5820] =	vst v0;
	s21 =	simm.s32 @!p0 $0x5820  }
0x1e: {  	[spmem:s7] =	stream.linear.scatter @!p0 [tilespmem:s21], [sflag:$0x3], $0x3E80, $0x38;
	[tilespmem:$0xBDB0] =	vst v63  }
0x1f: {  	s21 =	simm.s32 @!p0 $0x3  }
0x20: {  	_ =	swait.ge @!p0 [sflag:s21], $0x3E80  }
0x21: {  	[sflag:s21] =	ssyncset.done @!p0 $0x0  }
0x22: {  	[sflag:s21] =	ssyncadd.s32 @!p0 $0xFFFFC180  }
0x23: {  	s26 =	simm.s32 $0x0;
	[bflag:$0x0] =	sbarrier.arrive $0xFFFF  }
0x24: {  	[tilespmem:s13], [sflag:$0x1] =	stream.indirect.gather [hbm4b:s1+s12], $0x10, s26, s12, $0xb8;
	[tilespmem:$0xBDB0] =	vst v63  }
0x25: {  	s28 =	simm.s32 $0x50  }
0x26: {  	[tilespmem:s14], [sflag:$0x2] =	stream.indirect.gather [hbm4b:s1+s12], $0x10, s28, s12, $0xb8;
	[tilespmem:$0xBDB0] =	vst v63  }
0x27: {  	_ =	swait.ge [sflag:s15], $0x500  }
0x28: {  	[sflag:s15] =	ssyncset.done $0x0  }
0x29: {  	s29 =	simm.s32 $0x2710;
	[sflag:s15] =	ssyncadd.s32 $0xFFFFFB00  }
0x2a: {  	[spmem:s3] =	stream.indirect.scatter.add.f32 [tilespmem:s13], [sflag:$0x3], $0x10, s29, s12, $0xb8;
	[tilespmem:$0xBDB0] =	vst v63  }
0x2b: {  	_ =	swait.ge [sflag:s10], $0x500  }
0x2c: {  	[sflag:s10] =	ssyncset.done $0x0  }
0x2d: {  	s30 =	simm.s32 $0xA0;
	[sflag:s10] =	ssyncadd.s32 $0xFFFFFB00  }
0x2e: {  	[tilespmem:s13], [sflag:$0x1] =	stream.indirect.gather [hbm4b:s1+s12], $0x10, s30, s12, $0xb8;
	[tilespmem:$0xBDB0] =	vst v63  }
0x2f: {  	_ =	swait.ge [sflag:s16], $0x500  }
0x30: {  	[sflag:s16] =	ssyncset.done $0x0  }
0x31: {  	s31 =	simm.s32 $0x2760;
	[sflag:s16] =	ssyncadd.s32 $0xFFFFFB00  }
0x32: {  	[spmem:s3] =	stream.indirect.scatter.add.f32 [tilespmem:s14], [sflag:$0x3], $0x10, s31, s12, $0xb8;
	[tilespmem:$0xBDB0] =	vst v63  }
0x33: {  	_ =	swait.ge [sflag:s10], $0x500  }
0x34: {  	s22 =	simm.s32 $0x500;
	s21 =	simm.s32 $0xA0;
	[sflag:s10] =	ssyncset.done $0x0  }
.LBB2_4:
0x35: {  	s23 =	sadd.s32 $0x50, s21  }
0x36: {  	[sflag:s10] =	ssyncadd.s32 $0xFFFFFB00;
	s24 =	smov.u32 s22;
	s25 =	sadd.s32 $0x280, s22  }
0x37: {  	[tilespmem:s14], [sflag:$0x2] =	stream.indirect.gather [hbm4b:s1+s12], $0x10, s23, s12, $0xb8;
	[tilespmem:$0xBDB0] =	vst v63  }
0x38: {  	p1 =	sne.s32 s22, $0x9880;
	_ =	swait.ge [sflag:s15], $0x500  }
0x39: {  	[sflag:s15] =	ssyncset.done $0x0  }
0x3a: {  	s22 =	sadd.s32 $0x2710, s21;
	[sflag:s15] =	ssyncadd.s32 $0xFFFFFB00  }
0x3b: {  	[spmem:s3] =	stream.indirect.scatter.add.f32 [tilespmem:s13], [sflag:$0x3], $0x10, s22, s12, $0xb8;
	[tilespmem:$0xBDB0] =	vst v63  }
0x3c: {  	_ =	swait.ge [sflag:s10], $0x500  }
0x3d: {  	[sflag:s10] =	ssyncset.done $0x0  }
0x3e: {  	s22 =	sadd.s32 $0xA0, s21;
	[sflag:s10] =	ssyncadd.s32 $0xFFFFFB00  }
0x3f: {  	[tilespmem:s13], [sflag:$0x1] =	stream.indirect.gather [hbm4b:s1+s12], $0x10, s22, s12, $0xb8;
	[tilespmem:$0xBDB0] =	vst v63  }
0x40: {  	_ =	swait.ge [sflag:s16], $0x500  }
.Ltmp1:
0x41: {  	[sflag:s16] =	ssyncset.done $0x0;
	(pc) =	sbr.rel @p1 .LBB2_4-.Ltmp1, $4  }
0x42: {  	s21 =	sadd.s32 $0x2760, s21;
	[sflag:s16] =	ssyncadd.s32 $0xFFFFFB00  }
0x43: {  	[spmem:s3] =	stream.indirect.scatter.add.f32 [tilespmem:s14], [sflag:$0x3], $0x10, s21, s12, $0xb8;
	[tilespmem:$0xBDB0] =	vst v63  }
0x44: {  	_ =	swait.ge [sflag:s10], $0x500  }
0x45: {  	s22 =	smov.u32 s25;
	s21 =	sshra.s32 s24, $0x2;
	[sflag:s10] =	ssyncset.done $0x0  }
0x46: {  	s22 =	sadd.s32 $0x50, s21;
	[sflag:s10] =	ssyncadd.s32 $0xFFFFFB00  }
0x47: {  	[tilespmem:s14], [sflag:$0x2] =	stream.indirect.gather [hbm4b:s1+s12], $0x10, s22, s12, $0xb8;
	[tilespmem:$0xBDB0] =	vst v63  }
0x48: {  	_ =	swait.ge [sflag:s15], $0x500  }
0x49: {  	[sflag:s15] =	ssyncset.done $0x0  }
0x4a: {  	s29 =	sadd.s32 $0x2710, s21;
	[sflag:s15] =	ssyncadd.s32 $0xFFFFFB00  }
0x4b: {  	[spmem:s3] =	stream.indirect.scatter.add.f32 [tilespmem:s13], [sflag:$0x3], $0x10, s29, s12, $0xb8;
	[tilespmem:$0xBDB0] =	vst v63  }
0x4c: {  	_ =	swait.ge [sflag:s10], $0x500  }
0x4d: {  	[sflag:s10] =	ssyncset.done $0x0  }
0x4e: {  	s30 =	sadd.s32 $0xA0, s21;
	[sflag:s10] =	ssyncadd.s32 $0xFFFFFB00  }
0x4f: {  	[tilespmem:s13], [sflag:$0x1] =	stream.indirect.gather [hbm4b:s1+s12], $0x10, s30, s12, $0xb8;
	[tilespmem:$0xBDB0] =	vst v63  }
0x50: {  	_ =	swait.ge [sflag:s16], $0x500  }
0x51: {  	[sflag:s16] =	ssyncset.done $0x0  }
0x52: {  	s31 =	sadd.s32 $0x2760, s21;
	[sflag:s16] =	ssyncadd.s32 $0xFFFFFB00  }
0x53: {  	[spmem:s3] =	stream.indirect.scatter.add.f32 [tilespmem:s14], [sflag:$0x3], $0x10, s31, s12, $0xb8;
	[tilespmem:$0xBDB0] =	vst v63  }
0x54: {  	_ =	swait.ge [sflag:s10], $0x500  }
0x55: {  	[sflag:s10] =	ssyncset.done $0x0  }
0x56: {  	[sflag:s10] =	ssyncadd.s32 $0xFFFFFB00  }
0x57: {  	_ =	swait.ge [sflag:s15], $0x500  }
0x58: {  	[sflag:s15] =	ssyncset.done $0x0  }
0x59: {  	[sflag:s15] =	ssyncadd.s32 $0xFFFFFB00  }
0x5a: {  	[spmem:s3] =	stream.indirect.scatter.add.f32 [tilespmem:s13], [sflag:$0x3], $0x10, s17, s12, $0xb8;
	[tilespmem:$0xBDB0] =	vst v63  }
0x5b: {  	_ =	swait.ge [sflag:s10], $0x500  }
0x5c: {  	s20 =	sadd.s32 $0x1, s20;
	[sflag:s10] =	ssyncset.done $0x0  }
0x5d: {  	p1 =	sne.s32 s20, s9;
	[sflag:s10] =	ssyncadd.s32 $0xFFFFFB00  }
.Ltmp2:
0x5e: {  	s21 =	simm.s32 @!p0 $0x3;
	[bflag:$0x0] =	sbarrier.arrive $0xFFFF;
	(pc) =	sbr.rel @p1 .LBB2_1-.Ltmp2, $4  }
0x5f: {  	[hbm:s8], [sflag:s18] =	dma.local @!p0 [spmem:s19], $0x7D0  }
0x60: {  	_ =	swait.ge @!p0 [sflag:s21], $0x7D0  }
0x61: {  	[sflag:s21] =	ssyncset.done @!p0 $0x0  }
0x62: {  	[sflag:s21] =	ssyncadd.s32 @!p0 $0xFFFFF830  }
0x63: {  	_ =	sfence.sel $0x180000  }
0x64: {  	[bflag:$0x0] =	sbarrier.arrive $0xFFFF  }
0x65: {  	p0 =	sne.s32 s2, $0x0;
	_ =	strace $0x9000004A  }
0x66: {  	s0 =	sadd.s32 @!p0 $0x100000, s0;
	[bflag:$0x2] =	sbarrier.arrive $0xFFFF  }
0x67: {  	[sflag:s0] =	ssyncadd.tile.s32 @!p0 $0x1;
	_ =	shalt  }
.Lfunc_end2:
_tile_overlayer_lowered:
.L_overlay_start_2:
0x68: {  	(tag) =	ssettag $0x2  }
0x69: {  	s0 =	rddreg [dreg:$0x0];
	s2 =	stileid.u32  }
0x6a: {  	s1 =	rddreg [dreg:$0x1];
	p0 =	sne.s32 s2, $0x0  }
0x6b: {  	s3 =	rddreg [dreg:$0x2];
	[bflag:$0x3] =	sbarrier.arrive $0xFFFF;
	s2 =	simm.s32 @!p0 $0x1C03  }
0x6c: {  	[timem:s3], [sflag:s2] =	dma.local @!p0 [hbm:s0], s1  }
0x6d: {  	s0 =	simm.s32 @!p0 $0x3  }
0x6e: {  	_ =	swait.ge @!p0 [sflag:s0], s1  }
0x6f: {  	s1 =	ssub.s32 @!p0 $0x0, s1;
	[sflag:s0] =	ssyncset.done @!p0 $0x0  }
0x70: {  	[sflag:s0] =	ssyncadd.s32 @!p0 s1  }
0x71: {  	[bflag:$0x3] =	sbarrier.arrive $0xFFFF  }
0x72: {  	_ =	shalt  }

// kernel: kernel.7.cloned.1.call-start
scs
__scs_entry_jumppad:
0x0: {  	(pc) =	sbr.rel $0x88, $3  }
0x1: {  	(tag) =	ssettag $0x0;
	lr =	simm.s32 $0x1  }
0x2: {  	[smem:$0x3F95] =	sst lr;
	_ =	strace $0xD0000000  }
0x3: {  	_ = 	snop  }
0x4: {  	_ = 	snop  }
0x5: {  	_ = 	snop  }
0x6: {  	_ = 	snop  }
0x7: {  	_ = 	snop  }
__scs_overlays_trampoline_lowered:
0x8: {  	[smem:$0x3FA4] =	sst s0  }
0x9: {  	[smem:$0x3FA5] =	sst s1  }
0xa: {  	[smem:$0x3FA6] =	sst s2  }
0xb: {  	[smem:$0x3FA7] =	sst s3  }
0xc: {  	[smem:$0x3FA8] =	sst s4  }
0xd: {  	[smem:$0x3FA9] =	sst s5  }
0xe: {  	[smem:$0x3FAA] =	sst s6  }
0xf: {  	[smem:$0x3FAB] =	sst s7  }
0x10: {  	[smem:$0x3FAC] =	sst s8  }
0x11: {  	[smem:$0x3FAD] =	sst s9;
	s0 =	simm.s32 @!p0 $0x0  }
0x12: {  	s1 =	sld [smem:$0x3F93];
	s0 =	simm.s32 @p0 $0x1  }
0x13: {  	[smem:$0x3FAE] =	sst s0;
	s0 =	simm.s32 @!p1 $0x0  }
0x14: {  	s2 =	sld [smem:$0x3F92];
	s0 =	simm.s32 @p1 $0x1  }
0x15: {  	[smem:$0x3FAF] =	sst s0;
	s0 =	simm.s32 @!p2 $0x0  }
0x16: {  	s3 =	sld [smem:$0x3FDB];
	s0 =	simm.s32 @p2 $0x1  }
0x17: {  	s4 =	simm.s32 $0x1BF5;
	[smem:$0x3FB1] =	sst s0  }
0x18: {  	s0 =	sld [smem:$0x3F94];
	_ =	swait.ge [sflag:s4], $0x0  }
0x19: {  	s7 =	sld [smem:$0x3F95]  }
0x1a: {  	s8 =	sadd.s32 $0xFFFFE003, lr  }
0x1b: {  	s9 =	sadd.s32 $0xFFFFFEF7, lr;
	s5 =	simm.s32 $0xFFFFFFFF;
	p2 =	slt.u32 s8, $0xFFFFF086  }
0x1c: {  	p1 =	slt.u32 s9, $0xF7A;
	s5 =	simm.s32 @!p2 $0x0  }
0x1d: {  	s5 =	simm.s32 @p1 $0x1;
	p0 =	seq.s32 s7, s2  }
0x1e: {  	s7 =	smul.u32 @!p0 $0xF7A, s2;
	p2 =	seq.s32 @!p0 s5, $0x0  }
0x1f: {  	s9 =	smul.u32 $0xF7A, s1;
	s8 =	simm.s32 @!p0 $0x1BF5;
	p2 =	por !p2, p0  }
0x20: {  	[sflag:s8] =	ssyncset.s32 @!p0 $0xFFFFF086;
	s6 =	sadd.s32 @!p0 s3, s7;
	s7 =	simm.s32 @!p0 $0x108  }
0x21: {  	s3 =	sadd.s32 s3, s9;
	s6 =	sadd.s32 @!p0 $0x88, s6;
	s7 =	simm.s32 @p2 $0x1082  }
0x22: {  	[simem:s7], [sflag:s8] =	dma.local @!p0 [hbm:s6], $0xF7A  }
0x23: {  	s9 =	sor.u32 $0xD0000000, s2;
	s6 =	simm.s32 $0x108;
	_ =	swait.ge @!p0 [sflag:s8], $0x0  }
0x24: {  	s3 =	sadd.s32 $0x88, s3;
	s6 =	simm.s32 @!p1 $0x1082;
	[sflag:s4] =	ssyncset.s32 $0xFFFFF086  }
0x25: {  	[simem:s6], [sflag:s4] =	dma.local [hbm:s3], $0xF7A  }
0x26: {  	[smem:$0x3F95] =	sst s1;
	(tag) =	ssettag s2;
	_ =	strace s9  }
0x27: {  	s1 =	sld [smem:$0x3FA5]  }
0x28: {  	s2 =	sld [smem:$0x3FA6]  }
0x29: {  	s4 =	sld [smem:$0x3FA8]  }
0x2a: {  	p0 =	seq.s32 s5, $0x0;
	s5 =	sld [smem:$0x3FA9]  }
0x2b: {  	s6 =	sld [smem:$0x3FAA]  }
0x2c: {  	s7 =	sld [smem:$0x3FAB]  }
0x2d: {  	s3 =	simm.s32 $0x108;
	s8 =	sld [smem:$0x3FAC]  }
0x2e: {  	s3 =	simm.s32 @!p0 $0x1082;
	s9 =	sld [smem:$0x3FAD]  }
0x2f: {  	lr =	sadd.s32 s0, s3;
	s0 =	sld [smem:$0x3FA4]  }
0x30: {  	s3 =	sld [smem:$0x3FA7]  }
0x31: {  	[smem:$0x3FB0] =	sst s10  }
0x32: {  	s10 =	sld [smem:$0x3FAE];
	_ =	sdelay $0x3  }
0x33: {  	p0 =	seq.s32 s10, $0x1;
	s10 =	sld [smem:$0x3FB0];
	_ =	sdelay $0x3  }
0x34: {  	[smem:$0x3FB0] =	sst s10  }
0x35: {  	s10 =	sld [smem:$0x3FAF];
	_ =	sdelay $0x3  }
0x36: {  	p1 =	seq.s32 s10, $0x1;
	s10 =	sld [smem:$0x3FB0];
	_ =	sdelay $0x3  }
0x37: {  	[smem:$0x3FB0] =	sst s10  }
0x38: {  	s10 =	sld [smem:$0x3FB1]  }
0x39: {  	_ = 	snop;
	(pc) =	sbr.ind lr, $3  }
0x3a: {  	_ = 	snop  }
0x3b: {  	_ = 	snop  }
0x3c: {  	p2 =	seq.s32 s10, $0x1;
	s10 =	sld [smem:$0x3FB0]  }
0x3d: {  	_ =	shalt  }
0x3e: {  	_ =	shalt  }
0x3f: {  	_ =	shalt  }
0x40: {  	_ =	shalt  }
0x41: {  	_ =	shalt  }
0x42: {  	_ =	shalt  }
0x43: {  	_ =	shalt  }
0x44: {  	_ =	shalt  }
0x45: {  	_ =	shalt  }
0x46: {  	_ =	shalt  }
0x47: {  	_ =	shalt  }
0x48: {  	_ =	shalt  }
0x49: {  	_ =	shalt  }
0x4a: {  	_ =	shalt  }
0x4b: {  	_ =	shalt  }
0x4c: {  	_ =	shalt  }
0x4d: {  	_ =	shalt  }
0x4e: {  	_ =	shalt  }
0x4f: {  	_ =	shalt  }
0x50: {  	_ =	shalt  }
0x51: {  	_ =	shalt  }
0x52: {  	_ =	shalt  }
0x53: {  	_ =	shalt  }
0x54: {  	_ =	shalt  }
0x55: {  	_ =	shalt  }
0x56: {  	_ =	shalt  }
0x57: {  	_ =	shalt  }
0x58: {  	_ =	shalt  }
0x59: {  	_ =	shalt  }
0x5a: {  	_ =	shalt  }
0x5b: {  	_ =	shalt  }
0x5c: {  	_ =	shalt  }
0x5d: {  	_ =	shalt  }
0x5e: {  	_ =	shalt  }
0x5f: {  	_ =	shalt  }
0x60: {  	_ =	shalt  }
0x61: {  	_ =	shalt  }
0x62: {  	_ =	shalt  }
0x63: {  	_ =	shalt  }
0x64: {  	_ =	shalt  }
0x65: {  	_ =	shalt  }
0x66: {  	_ =	shalt  }
0x67: {  	_ =	shalt  }
0x68: {  	_ =	shalt  }
0x69: {  	_ =	shalt  }
0x6a: {  	_ =	shalt  }
0x6b: {  	_ =	shalt  }
0x6c: {  	_ =	shalt  }
0x6d: {  	_ =	shalt  }
0x6e: {  	_ =	shalt  }
0x6f: {  	_ =	shalt  }
0x70: {  	_ =	shalt  }
0x71: {  	_ =	shalt  }
0x72: {  	_ =	shalt  }
0x73: {  	_ =	shalt  }
0x74: {  	_ =	shalt  }
0x75: {  	_ =	shalt  }
0x76: {  	_ =	shalt  }
0x77: {  	_ =	shalt  }
0x78: {  	_ =	shalt  }
0x79: {  	_ =	shalt  }
0x7a: {  	_ =	shalt  }
0x7b: {  	_ =	shalt  }
0x7c: {  	_ =	shalt  }
0x7d: {  	_ =	shalt  }
0x7e: {  	_ =	shalt  }
0x7f: {  	_ =	shalt  }
0x80: {  	_ =	shalt  }
0x81: {  	_ =	shalt  }
0x82: {  	_ =	shalt  }
0x83: {  	_ =	shalt  }
0x84: {  	_ =	shalt  }
0x85: {  	_ =	shalt  }
0x86: {  	_ =	shalt  }
0x87: {  	_ =	shalt  }
.Lfunc_end0:
.L_simem_size_0:
called_computation_lowered:
.L_overlay_start_0:
0x88: {  	s2 =	sld [smem:$0x3FD9]  }
0x89: {  	s3 =	sld [smem:$0x3FFE];
	_ =	sdelay $0x1  }
0x8a: {  	s1 =	srdreg.scid  }
0x8b: {  	s0 =	sand.u32 $0x1, s1  }
0x8c: {  	s17 =	sshll.u32 s0, $0xA;
	s2 =	sadd.s32 s3, s2  }
0x8d: {  	s2 =	sadd.s32 s2, s17  }
0x8e: {  	[smem:$0x3FBC] =	sst s2  }
0x8f: {  	_ = 	snop  }
0x90: {  	s2 =	sld [smem:$0x3FD0];
	(tm) =	ssettm $0x1  }
0x91: {  	s18 =	sld [smem:$0x3FFB];
	_ =	sdelay $0x3  }
0x92: {  	_ =	strace s18  }
0x93: {  	s3 =	sld [smem:$0x3FFC];
	_ =	sdelay $0x3  }
0x94: {  	_ =	strace s3  }
0x95: {  	s3 =	sld [smem:$0x3FFD];
	_ =	sdelay $0x3  }
0x96: {  	_ =	strace s3  }
0x97: {  	_ =	strace $0x8FFFFFFF  }
0x98: {  	s19 =	sld [smem:$0x3FDB];
	_ =	sdelay $0x1  }
0x99: {  	s4 =	simm.s32 $_scs_section_size  }
0x9a: {  	s5 =	simm.s32 $_size__tile_overlayer_lowered;
	s6 =	simm.s32 $_tile_overlayer_lowered  }
0x9b: {  	s22 =	simm.s32 $0x1BFF;
	s21 =	sshll.u32 s6, $0x1;
	s3 =	sadd.s32 s4, s19  }
0x9c: {  	s7 =	simm.s32 $0x0;
	s20 =	sshll.u32 s5, $0x1;
	s5 =	sadd.s32 s21, s3  }
0x9d: {  	[timem:s7], [sflag:s22] =	dma.local [hbm:s5], s20  }
0x9e: {  	_ =	swait.ge [sflag:s22], s20  }
0x9f: {  	s4 =	ssub.s32 $0x0, s20;
	[sflag:s22] =	ssyncset.done $0x0  }
0xa0: {  	[sflag:s22] =	ssyncadd.s32 s4;
	_ =	sdelay $0x1  }
0xa1: {  	s23 =	simm.s32 $0x1B8B  }
0xa2: {  	_ =	swait.ge [sflag:s23], $0x1  }
0xa3: {  	[sflag:s23] =	ssyncset.done $0x0  }
0xa4: {  	s25 =	simm.s32 $0x1B8E;
	s24 =	sld [smem:$0x3FFE];
	[sflag:s23] =	ssyncadd.s32 $0xFFFFFFFF  }
0xa5: {  	s26 =	simm.s32 $execute0_lowered;
	[smem:$0x3FD2] =	sst s25  }
0xa6: {  	s5 =	sshll.u32 s26, $0x1;
	_ =	strace $0x80000046;
	[dreg:$0x1] =	wrdreg $0xFFFFFFFF  }
0xa7: {  	s28 =	simm.s32 $_size_execute0_lowered;
	s3 =	sadd.s32 s3, s5;
	[dreg:$0x0] =	wrdreg $0x0  }
0xa8: {  	s5 =	sshll.u32 s28, $0x1;
	[dreg:$0x2] =	wrdreg s3  }
0xa9: {  	[dreg:$0x3] =	wrdreg s5  }
0xaa: {  	[dreg:$0x4] =	wrdreg $0xC0  }
0xab: {  	_ =	task [dreg:s7], $0x5FFFF  }
0xac: {  	[dreg:$0x1] =	wrdreg $0xFFFFFFFF  }
0xad: {  	[dreg:$0x0] =	wrdreg $0x60  }
0xae: {  	[dreg:$0x2] =	wrdreg s2  }
0xaf: {  	[dreg:$0x3] =	wrdreg s24  }
0xb0: {  	[dreg:$0x4] =	wrdreg $0x96A00  }
0xb1: {  	[dreg:$0x5] =	wrdreg $0xC2B00  }
0xb2: {  	[dreg:$0x6] =	wrdreg $0x9  }
0xb3: {  	_ =	task.clear_ibuf [dreg:s7], $0x7FFFF;
	_ =	strace $0x90000046  }
0xb4: {  	s29 =	simm.s32 $0x9;
	_ =	strace $0x80000048  }
0xb5: {  	_ =	swait.ge [sflag:s29], $0x1  }
0xb6: {  	[sflag:s29] =	ssyncadd.s32 $0xFFFFFFFF  }
0xb7: {  	_ =	strace $0x90000048  }
0xb8: {  	_ =	sfence  }
0xb9: {  	s30 =	sld [smem:$0x0];
	_ =	sdelay $0x2  }
0xba: {  	s31 =	sshll.u32 s1, $0xD;
	s1 =	sshrl.u32 s1, $0x2  }
0xbb: {  	s3 =	sand.u32 $0x4000, s31;
	s1 =	sadd.s32 s1, s30  }
0xbc: {  	s0 =	sor.u32 s3, s0;
	s1 =	sshll.u32 s1, $0x11  }
0xbd: {  	s0 =	sor.u32 s1, s0  }
0xbe: {  	s0 =	sadd.s32 $0x8F2B, s0  }
0xbf: {  	[sflag:s0] =	ssyncadd.remote.s32 $0x1  }
0xc0: {  	_ =	sfence.sel $0xFFFF  }
0xc1: {  	[dreg:$0x0] =	wrdreg $0xFFFFFFFF;
	(pc) =	sbr.abs _section_cstart, $3  }
0xc2: {  	[dreg:$0x1] =	wrdreg $0xFFFFFFFF  }
0xc3: {  	_ =	task.clear_ibuf [dreg:s7], $0x2FFFF;
	_ =	strace $0x9FFFFFFF  }
0xc4: {  	(tm) =	ssettm $0x7FFFFFFF  }
0xc5: {  	_ =	shalt  }
tec
execute0_lowered:
.L_overlay_start_1:
0x0: {  	(tag) =	ssettag $0x1  }
0x1: {  	s1 =	rddreg [dreg:$0x0]  }
0x2: {  	s6 =	rddreg [dreg:$0x1]  }
0x3: {  	s3 =	rddreg [dreg:$0x2]  }
0x4: {  	s4 =	rddreg [dreg:$0x3];
	s5 =	srdreg.scid  }
0x5: {  	s2 =	stileid.u32;
	s0 =	rddreg [dreg:$0x4];
	s14 =	simm.s32 $0x2710  }
0x6: {  	s15 =	simm.s32 $0x50;
	s16 =	simm.s32 $0x4E20;
	s17 =	simm.s32 $0x5320  }
0x7: {  	s18 =	simm.s32 $0x1;
	s19 =	simm.s32 $0xBDB0;
	s20 =	simm.s32 $0x2  }
0x8: {  	s21 =	simm.s32 $0x4DD0;
	s22 =	simm.s32 $0x0;
	s7 =	sand.u32 $0x1, s5  }
0x9: {  	s9 =	smul.u32 $0x3E80, s2;
	s5 =	simm.s32 $0x0;
	s8 =	sshll.u32 s7, $0x4  }
0xa: {  	p0 =	sgt.u32 s2, $0x9;
	s10 =	smul.u32 $0x27100, s7;
	s8 =	sor.u32 s2, s8  }
0xb: {  	[smem:$0x7FF] =	sst s5;
	s7 =	ssub.s32 $0x2, s7;
	s8 =	smul.u32 $0x4E2, s8  }
0xc: {  	_ =	strace $0x80000047;
	s11 =	sshrl.u32 s7, $0x1;
	s10 =	sadd.s32 s9, s10  }
0xd: {  	s13 =	ssub.s32 s7, s11;
	s10 =	sshrl.u32 s10, $0x3;
	s8 =	sadd.s32 s8, s6  }
0xe: {  	s12 =	sadd.s32 s10, s6;
	s6 =	sadd.s32 $0xBC00, s8;
	s7 =	sadd.s32 $0x1E00, s8  }
0xf: {  	s8 =	sadd.s32 s9, s3;
	s9 =	sadd.s32 s9, s4;
	s10 =	sadd.s32 $0x1F800, s12  }
0x10: {  	v0 =	vimm.f32 $0.0e+00;
	v1 =	vimm.f32 $1.000000000e+00;
	s11 =	sadd.s32 $0x15A00, s12;
	s12 =	smax.u32 s13, $0x1;
	s13 =	simm.s32 $0x3  }
.LBB2_1:
0x11: {  	[tilespmem:s5], [sflag:$0x3] =	stream.linear.gather [hbm4b:s6+s5], $0x2710, $0x38;
	[tilespmem:$0xE9C0] =	vst v63  }
0x12: {  	_ =	swait.ge [sflag:s13], $0x2710  }
0x13: {  	[sflag:s13] =	ssyncset.done $0x0  }
0x14: {  	[sflag:s13] =	ssyncadd.s32 $0xFFFFD8F0  }
0x15: {  	[tilespmem:s14], [sflag:$0x3] =	stream.linear.gather [hbm4b:s7+s5], $0x2710, $0x38;
	[tilespmem:$0xE9C0] =	vst v63  }
0x16: {  	_ =	swait.ge [sflag:s13], $0x2710  }
0x17: {  	[sflag:s13] =	ssyncset.done $0x0  }
0x18: {  	s23 =	simm.s32 $0x40;
	s24 =	simm.s32 $0x0;
	[sflag:s13] =	ssyncadd.s32 $0xFFFFD8F0  }
.LBB2_2:
0x19: {  	p1 =	sne.s32 s23, $0xF9C0;
	[tilespmem:s24+$0x5820] =	vst v0;
	s24 =	smov.u32 s23;
	s23 =	sadd.s32 $0x40, s23  }
.Ltmp0:
0x1a: {  	(pc) =	sbr.rel @p1 .LBB2_2-.Ltmp0, $2  }
0x1b: {  	_ =	sdelay $0x2  }
0x1c: {  	s24 =	sshra.s32 s24, $0x2  }
0x1d: {  	[tilespmem:s24+$0x5820] =	vst v0;
	s23 =	simm.s32 @!p0 $0x5820;
	s24 =	simm.s32 @!p0 $0x3  }
0x1e: {  	[spmem:s8] =	stream.linear.scatter @!p0 [tilespmem:s23], [sflag:$0x3], $0x3E80, $0x38;
	[tilespmem:$0xE9C0] =	vst v63  }
0x1f: {  	_ =	swait.ge @!p0 [sflag:s24], $0x3E80  }
0x20: {  	[sflag:s24] =	ssyncset.done @!p0 $0x0  }
0x21: {  	[sflag:s24] =	ssyncadd.s32 @!p0 $0xFFFFC180  }
0x22: {  	[spmem:s9] =	stream.linear.scatter @!p0 [tilespmem:s23], [sflag:$0x3], $0x3E80, $0x38;
	[tilespmem:$0xE9C0] =	vst v63  }
0x23: {  	_ =	swait.ge @!p0 [sflag:s24], $0x3E80  }
0x24: {  	[sflag:s24] =	ssyncset.done @!p0 $0x0  }
0x25: {  	s23 =	simm.s32 $0x40;
	[sflag:s24] =	ssyncadd.s32 @!p0 $0xFFFFC180;
	s24 =	simm.s32 $0x0  }
.LBB2_4:
0x26: {  	p1 =	sne.s32 s23, $0x13C0;
	[tilespmem:s24+$0xBDB0] =	vst v1;
	s24 =	smov.u32 s23;
	s23 =	sadd.s32 $0x40, s23  }
.Ltmp1:
0x27: {  	(pc) =	sbr.rel @p1 .LBB2_4-.Ltmp1, $2  }
0x28: {  	_ =	sdelay $0x2  }
0x29: {  	s24 =	sshra.s32 s24, $0x2  }
0x2a: {  	[tilespmem:s24+$0xBDB0] =	vst v1  }
0x2b: {  	s23 =	simm.s32 $0x0;
	[bflag:$0x0] =	sbarrier.arrive $0xFFFF  }
0x2c: {  	[tilespmem:s16], [sflag:$0x1] =	stream.indirect.gather [hbm4b:s1+s15], $0x10, s23, s15, $0xb8;
	[tilespmem:$0xE9C0] =	vst v63  }
0x2d: {  	s28 =	simm.s32 $0x50  }
0x2e: {  	[tilespmem:s17], [sflag:$0x2] =	stream.indirect.gather [hbm4b:s1+s15], $0x10, s28, s15, $0xb8;
	[tilespmem:$0xE9C0] =	vst v63  }
0x2f: {  	_ =	swait.ge [sflag:s18], $0x500  }
0x30: {  	[sflag:s18] =	ssyncset.done $0x0  }
0x31: {  	s29 =	simm.s32 $0x2710;
	[sflag:s18] =	ssyncadd.s32 $0xFFFFFB00  }
0x32: {  	[spmem:s3] =	stream.indirect.scatter.add.f32 [tilespmem:s16], [sflag:$0x3], $0x10, s29, s15, $0xb8;
	[tilespmem:$0xE9C0] =	vst v63  }
0x33: {  	_ =	swait.ge [sflag:s13], $0x500  }
0x34: {  	[sflag:s13] =	ssyncset.done $0x0  }
0x35: {  	[sflag:s13] =	ssyncadd.s32 $0xFFFFFB00  }
0x36: {  	[spmem:s4] =	stream.indirect.scatter.add.f32 [tilespmem:s19], [sflag:$0x3], $0x10, s29, s15, $0xb8;
	[tilespmem:$0xE9C0] =	vst v63  }
0x37: {  	_ =	swait.ge [sflag:s13], $0x500  }
0x38: {  	[sflag:s13] =	ssyncset.done $0x0  }
0x39: {  	s30 =	simm.s32 $0xA0;
	[sflag:s13] =	ssyncadd.s32 $0xFFFFFB00  }
0x3a: {  	[tilespmem:s16], [sflag:$0x1] =	stream.indirect.gather [hbm4b:s1+s15], $0x10, s30, s15, $0xb8;
	[tilespmem:$0xE9C0] =	vst v63  }
0x3b: {  	_ =	swait.ge [sflag:s20], $0x500  }
0x3c: {  	[sflag:s20] =	ssyncset.done $0x0  }
0x3d: {  	s31 =	simm.s32 $0x2760;
	[sflag:s20] =	ssyncadd.s32 $0xFFFFFB00  }
0x3e: {  	[spmem:s3] =	stream.indirect.scatter.add.f32 [tilespmem:s17], [sflag:$0x3], $0x10, s31, s15, $0xb8;
	[tilespmem:$0xE9C0] =	vst v63  }
0x3f: {  	_ =	swait.ge [sflag:s13], $0x500  }
0x40: {  	[sflag:s13] =	ssyncset.done $0x0  }
0x41: {  	[sflag:s13] =	ssyncadd.s32 $0xFFFFFB00  }
0x42: {  	[spmem:s4] =	stream.indirect.scatter.add.f32 [tilespmem:s19], [sflag:$0x3], $0x10, s31, s15, $0xb8;
	[tilespmem:$0xE9C0] =	vst v63  }
0x43: {  	_ =	swait.ge [sflag:s13], $0x500  }
0x44: {  	s24 =	simm.s32 $0x500;
	s23 =	simm.s32 $0xA0;
	[sflag:s13] =	ssyncset.done $0x0  }
.LBB2_6:
0x45: {  	s25 =	sadd.s32 $0x50, s23  }
0x46: {  	[sflag:s13] =	ssyncadd.s32 $0xFFFFFB00;
	s26 =	smov.u32 s24;
	s28 =	sadd.s32 $0x280, s24  }
0x47: {  	[tilespmem:s17], [sflag:$0x2] =	stream.indirect.gather [hbm4b:s1+s15], $0x10, s25, s15, $0xb8;
	[tilespmem:$0xE9C0] =	vst v63  }
0x48: {  	p1 =	sne.s32 s24, $0x9880;
	_ =	swait.ge [sflag:s18], $0x500  }
0x49: {  	[sflag:s18] =	ssyncset.done $0x0  }
0x4a: {  	s24 =	sadd.s32 $0x2710, s23;
	[sflag:s18] =	ssyncadd.s32 $0xFFFFFB00  }
0x4b: {  	[spmem:s3] =	stream.indirect.scatter.add.f32 [tilespmem:s16], [sflag:$0x3], $0x10, s24, s15, $0xb8;
	[tilespmem:$0xE9C0] =	vst v63  }
0x4c: {  	_ =	swait.ge [sflag:s13], $0x500  }
0x4d: {  	[sflag:s13] =	ssyncset.done $0x0  }
0x4e: {  	[sflag:s13] =	ssyncadd.s32 $0xFFFFFB00  }
0x4f: {  	[spmem:s4] =	stream.indirect.scatter.add.f32 [tilespmem:s19], [sflag:$0x3], $0x10, s24, s15, $0xb8;
	[tilespmem:$0xE9C0] =	vst v63  }
0x50: {  	_ =	swait.ge [sflag:s13], $0x500  }
0x51: {  	[sflag:s13] =	ssyncset.done $0x0  }
0x52: {  	s24 =	sadd.s32 $0xA0, s23;
	[sflag:s13] =	ssyncadd.s32 $0xFFFFFB00  }
0x53: {  	[tilespmem:s16], [sflag:$0x1] =	stream.indirect.gather [hbm4b:s1+s15], $0x10, s24, s15, $0xb8;
	[tilespmem:$0xE9C0] =	vst v63  }
0x54: {  	_ =	swait.ge [sflag:s20], $0x500  }
0x55: {  	[sflag:s20] =	ssyncset.done $0x0  }
0x56: {  	s23 =	sadd.s32 $0x2760, s23;
	[sflag:s20] =	ssyncadd.s32 $0xFFFFFB00  }
0x57: {  	[spmem:s3] =	stream.indirect.scatter.add.f32 [tilespmem:s17], [sflag:$0x3], $0x10, s23, s15, $0xb8;
	[tilespmem:$0xE9C0] =	vst v63  }
0x58: {  	_ =	swait.ge [sflag:s13], $0x500  }
.Ltmp2:
0x59: {  	[sflag:s13] =	ssyncset.done $0x0;
	(pc) =	sbr.rel @p1 .LBB2_6-.Ltmp2, $4  }
0x5a: {  	[sflag:s13] =	ssyncadd.s32 $0xFFFFFB00  }
0x5b: {  	[spmem:s4] =	stream.indirect.scatter.add.f32 [tilespmem:s19], [sflag:$0x3], $0x10, s23, s15, $0xb8;
	[tilespmem:$0xE9C0] =	vst v63  }
0x5c: {  	_ =	swait.ge [sflag:s13], $0x500  }
0x5d: {  	s24 =	smov.u32 s28;
	s23 =	sshra.s32 s26, $0x2;
	[sflag:s13] =	ssyncset.done $0x0  }
0x5e: {  	s24 =	sadd.s32 $0x50, s23;
	[sflag:s13] =	ssyncadd.s32 $0xFFFFFB00  }
0x5f: {  	[tilespmem:s17], [sflag:$0x2] =	stream.indirect.gather [hbm4b:s1+s15], $0x10, s24, s15, $0xb8;
	[tilespmem:$0xE9C0] =	vst v63  }
0x60: {  	_ =	swait.ge [sflag:s18], $0x500  }
0x61: {  	[sflag:s18] =	ssyncset.done $0x0  }
0x62: {  	s29 =	sadd.s32 $0x2710, s23;
	[sflag:s18] =	ssyncadd.s32 $0xFFFFFB00  }
0x63: {  	[spmem:s3] =	stream.indirect.scatter.add.f32 [tilespmem:s16], [sflag:$0x3], $0x10, s29, s15, $0xb8;
	[tilespmem:$0xE9C0] =	vst v63  }
0x64: {  	_ =	swait.ge [sflag:s13], $0x500  }
0x65: {  	[sflag:s13] =	ssyncset.done $0x0  }
0x66: {  	[sflag:s13] =	ssyncadd.s32 $0xFFFFFB00  }
0x67: {  	[spmem:s4] =	stream.indirect.scatter.add.f32 [tilespmem:s19], [sflag:$0x3], $0x10, s29, s15, $0xb8;
	[tilespmem:$0xE9C0] =	vst v63  }
0x68: {  	_ =	swait.ge [sflag:s13], $0x500  }
0x69: {  	[sflag:s13] =	ssyncset.done $0x0  }
0x6a: {  	s30 =	sadd.s32 $0xA0, s23;
	[sflag:s13] =	ssyncadd.s32 $0xFFFFFB00  }
0x6b: {  	[tilespmem:s16], [sflag:$0x1] =	stream.indirect.gather [hbm4b:s1+s15], $0x10, s30, s15, $0xb8;
	[tilespmem:$0xE9C0] =	vst v63  }
0x6c: {  	_ =	swait.ge [sflag:s20], $0x500  }
0x6d: {  	[sflag:s20] =	ssyncset.done $0x0  }
0x6e: {  	s31 =	sadd.s32 $0x2760, s23;
	[sflag:s20] =	ssyncadd.s32 $0xFFFFFB00  }
0x6f: {  	[spmem:s3] =	stream.indirect.scatter.add.f32 [tilespmem:s17], [sflag:$0x3], $0x10, s31, s15, $0xb8;
	[tilespmem:$0xE9C0] =	vst v63  }
0x70: {  	_ =	swait.ge [sflag:s13], $0x500  }
0x71: {  	[sflag:s13] =	ssyncset.done $0x0  }
0x72: {  	[sflag:s13] =	ssyncadd.s32 $0xFFFFFB00  }
0x73: {  	[spmem:s4] =	stream.indirect.scatter.add.f32 [tilespmem:s19], [sflag:$0x3], $0x10, s31, s15, $0xb8;
	[tilespmem:$0xE9C0] =	vst v63  }
0x74: {  	_ =	swait.ge [sflag:s13], $0x500  }
0x75: {  	[sflag:s13] =	ssyncset.done $0x0  }
0x76: {  	[sflag:s13] =	ssyncadd.s32 $0xFFFFFB00  }
0x77: {  	_ =	swait.ge [sflag:s18], $0x500  }
0x78: {  	[sflag:s18] =	ssyncset.done $0x0  }
0x79: {  	[sflag:s18] =	ssyncadd.s32 $0xFFFFFB00  }
0x7a: {  	[spmem:s3] =	stream.indirect.scatter.add.f32 [tilespmem:s16], [sflag:$0x3], $0x10, s21, s15, $0xb8;
	[tilespmem:$0xE9C0] =	vst v63  }
0x7b: {  	_ =	swait.ge [sflag:s13], $0x500  }
0x7c: {  	[sflag:s13] =	ssyncset.done $0x0  }
0x7d: {  	[sflag:s13] =	ssyncadd.s32 $0xFFFFFB00  }
0x7e: {  	[spmem:s4] =	stream.indirect.scatter.add.f32 [tilespmem:s19], [sflag:$0x3], $0x10, s21, s15, $0xb8;
	[tilespmem:$0xE9C0] =	vst v63  }
0x7f: {  	_ =	swait.ge [sflag:s13], $0x500  }
0x80: {  	[sflag:s13] =	ssyncset.done $0x0  }
0x81: {  	s23 =	sshll.u32 @!p0 s2, $0x6;
	[sflag:s13] =	ssyncadd.s32 $0xFFFFFB00  }
0x82: {  	s23 =	sor.u32 @!p0 $0x1C03, s23;
	s24 =	sshrl.u32 @!p0 s8, $0x3;
	[bflag:$0x0] =	sbarrier.arrive $0xFFFF  }
0x83: {  	[hbm:s10], [sflag:s23] =	dma.local @!p0 [spmem:s24], $0x7D0  }
0x84: {  	s24 =	simm.s32 @!p0 $0x3  }
0x85: {  	s22 =	sadd.s32 $0x1, s22;
	_ =	swait.ge @!p0 [sflag:s24], $0x7D0  }
0x86: {  	p1 =	sne.s32 s22, s12;
	[sflag:s24] =	ssyncset.done @!p0 $0x0  }
.Ltmp3:
0x87: {  	s25 =	sshrl.u32 @!p0 s9, $0x3;
	[sflag:s24] =	ssyncadd.s32 @!p0 $0xFFFFF830;
	(pc) =	sbr.rel @p1 .LBB2_1-.Ltmp3, $4  }
0x88: {  	[hbm:s11], [sflag:s23] =	dma.local @!p0 [spmem:s25], $0x7D0  }
0x89: {  	_ =	swait.ge @!p0 [sflag:s24], $0x7D0  }
0x8a: {  	[sflag:s24] =	ssyncset.done @!p0 $0x0  }
0x8b: {  	[sflag:s24] =	ssyncadd.s32 @!p0 $0xFFFFF830  }
0x8c: {  	_ =	sfence.sel $0x180000  }
0x8d: {  	[bflag:$0x0] =	sbarrier.arrive $0xFFFF  }
0x8e: {  	p0 =	sne.s32 s2, $0x0;
	_ =	strace $0x90000047  }
0x8f: {  	s0 =	sadd.s32 @!p0 $0x100000, s0;
	[bflag:$0x2] =	sbarrier.arrive $0xFFFF  }
0x90: {  	[sflag:s0] =	ssyncadd.tile.s32 @!p0 $0x1;
	_ =	shalt  }
.Lfunc_end2:
_tile_overlayer_lowered:
.L_overlay_start_2:
0x91: {  	(tag) =	ssettag $0x2  }
0x92: {  	s0 =	rddreg [dreg:$0x0];
	s2 =	stileid.u32  }
0x93: {  	s1 =	rddreg [dreg:$0x1];
	p0 =	sne.s32 s2, $0x0  }
0x94: {  	s3 =	rddreg [dreg:$0x2];
	[bflag:$0x3] =	sbarrier.arrive $0xFFFF;
	s2 =	simm.s32 @!p0 $0x1C03  }
0x95: {  	[timem:s3], [sflag:s2] =	dma.local @!p0 [hbm:s0], s1  }
0x96: {  	s0 =	simm.s32 @!p0 $0x3  }
0x97: {  	_ =	swait.ge @!p0 [sflag:s0], s1  }
0x98: {  	s1 =	ssub.s32 @!p0 $0x0, s1;
	[sflag:s0] =	ssyncset.done @!p0 $0x0  }
0x99: {  	[sflag:s0] =	ssyncadd.s32 @!p0 s1  }
0x9a: {  	[bflag:$0x3] =	sbarrier.arrive $0xFFFF  }
0x9b: {  	_ =	shalt  }

</sc_bundles>
